<compile_context>
chip_gen: v7x
topology: tpu7x:2x2x1
jax: 0.10.2.dev20260603
libtpu: 0.0.44.dev20260713+nightly
codegen_flags: <defaults>
</compile_context>

<pallas_src>
import functools

import jax
import jax.numpy as jnp
from jax import lax
from jax.experimental import pallas as pl
from jax.experimental.pallas import tpu as pltpu
from jax.experimental.pallas import tpu_sc as plsc

N = 10000
E = 320000
IN = 128
HID = 128
LAT = 64

NC = 2
NS = 16
NW = NC * NS
CHUNK = 128
CPT = 80
E_PAD = NW * CPT * CHUNK
N_PAD = 10112
RPT = N_PAD // NS
EPS = 1e-5

_mesh = plsc.VectorSubcoreMesh(core_axis_name="c", subcore_axis_name="s")





@functools.partial(
    pl.kernel,
    mesh=_mesh,
    out_type=jax.ShapeDtypeStruct((NC, N_PAD, HID), jnp.float32),
    scratch_types=[
        pltpu.VMEM((CHUNK,), jnp.int32),
        pltpu.VMEM((CHUNK, HID), jnp.float32),
        pltpu.VMEM_SHARED((N_PAD, HID), jnp.float32),
    ],
)
def _deg_kernel(dst_hbm, ones_hbm, zero_hbm, out_hbm, didx, ones_v, acc):
    cid = lax.axis_index("c")
    sid = lax.axis_index("s")
    wid = cid * NS + sid
    r0 = sid * RPT
    pltpu.sync_copy(ones_hbm, ones_v)
    pltpu.sync_copy(zero_hbm.at[pl.ds(r0, RPT)], acc.at[pl.ds(r0, RPT)])
    plsc.subcore_barrier()

    def body(j, carry):
        base = (wid * CPT + j) * CHUNK
        pltpu.sync_copy(dst_hbm.at[pl.ds(base, CHUNK)], didx)
        pltpu.sync_copy(ones_v, acc.at[didx], add=True)
        return carry

    lax.fori_loop(0, CPT, body, 0)
    plsc.subcore_barrier()
    pltpu.sync_copy(acc.at[pl.ds(r0, RPT)], out_hbm.at[cid].at[pl.ds(r0, RPT)])


def _make_scatter(F):
    @functools.partial(
        pl.kernel,
        mesh=_mesh,
        out_type=jax.ShapeDtypeStruct((NC, N_PAD, F), jnp.float32),
        scratch_types=[
            pltpu.VMEM((CHUNK,), jnp.int32),
            pltpu.VMEM((CHUNK,), jnp.int32),
            pltpu.VMEM((CHUNK, F), jnp.float32),
            pltpu.VMEM_SHARED((N_PAD, F), jnp.float32),
            pltpu.SemaphoreType.DMA,
        ],
    )
    def _scatter_kernel(h_hbm, src_hbm, dst_hbm, zero_hbm, out_hbm,
                        sidx, didx, rows, acc, sem):
        cid = lax.axis_index("c")
        sid = lax.axis_index("s")
        wid = cid * NS + sid
        r0 = sid * RPT
        pltpu.sync_copy(zero_hbm.at[pl.ds(r0, RPT)], acc.at[pl.ds(r0, RPT)])
        plsc.subcore_barrier()

        def body(j, carry):
            base = (wid * CPT + j) * CHUNK
            pltpu.sync_copy(src_hbm.at[pl.ds(base, CHUNK)], sidx)
            pltpu.sync_copy(dst_hbm.at[pl.ds(base, CHUNK)], didx)
            pltpu.async_copy(h_hbm.at[sidx], rows, sem).wait()
            pltpu.sync_copy(rows, acc.at[didx], add=True)
            return carry

        lax.fori_loop(0, CPT, body, 0)
        plsc.subcore_barrier()
        pltpu.sync_copy(acc.at[pl.ds(r0, RPT)], out_hbm.at[cid].at[pl.ds(r0, RPT)])

    return _scatter_kernel


_scatter_hid = _make_scatter(HID)



def _dinv_from(d0_ref, d1_ref):
    deg = d0_ref[:, 0:1] + d1_ref[:, 0:1] + 1.0
    return 1.0 / jnp.sqrt(deg)


def _first_body(d0_ref, d1_ref, x_ref, w_ref, out_ref):
    dinv = _dinv_from(d0_ref, d1_ref)
    out_ref[...] = (x_ref[...] @ w_ref[...]) * dinv


def _mid_body(d0_ref, d1_ref, sp_ref, hp_ref, b_ref, g_ref, be_ref, w_ref,
              out_ref):
    dinv = _dinv_from(d0_ref, d1_ref)
    y = dinv * (sp_ref[0] + sp_ref[1] + hp_ref[...]) + b_ref[...]
    yr = y[:N]
    m = jnp.mean(yr, axis=0, keepdims=True)
    v = jnp.mean((yr - m) ** 2, axis=0, keepdims=True)
    a = (y - m) / jnp.sqrt(v + EPS) * g_ref[...] + be_ref[...]
    a = jnp.maximum(a, 0.0)
    rows = lax.broadcasted_iota(jnp.int32, a.shape, 0)
    a = jnp.where(rows < N, a, 0.0)
    out_ref[...] = (a @ w_ref[...]) * dinv


def _bn_relu(y, g, b):
    m = jnp.mean(y, axis=0, keepdims=True)
    v = jnp.mean((y - m) ** 2, axis=0, keepdims=True)
    return jnp.maximum((y - m) / jnp.sqrt(v + EPS) * g + b, 0.0)


def _dec_body(dg0_ref, dg1p_ref, sp_ref, hp_ref, b3_ref,
              d1_ref, db1_ref, dg1_ref, dbe1_ref,
              d2_ref, db2_ref, dg2_ref, dbe2_ref,
              d3_ref, db3_ref, xhat_ref, z_ref):
    dinv = _dinv_from(dg0_ref, dg1p_ref)
    zfull = dinv * (sp_ref[0] + sp_ref[1] + hp_ref[...])
    z = zfull[:N, :LAT] + b3_ref[...]
    z_ref[...] = z
    d = _bn_relu(z @ d1_ref[...] + db1_ref[...], dg1_ref[...], dbe1_ref[...])
    d = _bn_relu(d @ d2_ref[...] + db2_ref[...], dg2_ref[...], dbe2_ref[...])
    xhat_ref[...] = d @ d3_ref[...] + db3_ref[...]


def _tc_call(body, out_shape, *args):
    return pl.pallas_call(body, out_shape=out_shape)(*args)



def kernel(x, edge_index, W1, b1, g1, be1, W2, b2, g2, be2, W3, b3,
           D1, db1, dg1, dbe1, D2, db2, dg2, dbe2, D3, db3):
    pad_e = E_PAD - E
    pad_idx = N + (jnp.arange(pad_e, dtype=jnp.int32) % (N_PAD - N))
    src_p = jnp.concatenate([edge_index[0], pad_idx])
    dst_p = jnp.concatenate([edge_index[1], pad_idx])
    x_p = jnp.concatenate([x, jnp.zeros((N_PAD - N, IN), x.dtype)], axis=0)
    z128 = jnp.zeros((N_PAD, HID), jnp.float32)
    ones128 = jnp.ones((CHUNK, HID), jnp.float32)
    r1 = lambda a: a.reshape(1, -1)

    degp = _deg_kernel(dst_p, ones128, z128)
    d0, d1 = degp[0], degp[1]

    h1p = _tc_call(_first_body, jax.ShapeDtypeStruct((N_PAD, HID), jnp.float32),
                   d0, d1, x_p, W1)
    s1 = _scatter_hid(h1p, src_p, dst_p, z128)
    h2p = _tc_call(_mid_body, jax.ShapeDtypeStruct((N_PAD, HID), jnp.float32),
                   d0, d1, s1, h1p, r1(b1), r1(g1), r1(be1), W2)
    s2 = _scatter_hid(h2p, src_p, dst_p, z128)
    W3p = jnp.pad(W3, ((0, 0), (0, HID - LAT)))
    h3p = _tc_call(_mid_body, jax.ShapeDtypeStruct((N_PAD, HID), jnp.float32),
                   d0, d1, s2, h2p, r1(b2), r1(g2), r1(be2), W3p)
    s3 = _scatter_hid(h3p, src_p, dst_p, z128)
    xhat, z = _tc_call(
        _dec_body,
        (jax.ShapeDtypeStruct((N, IN), jnp.float32),
         jax.ShapeDtypeStruct((N, LAT), jnp.float32)),
        d0, d1, s3, h3p, r1(b3),
        D1, r1(db1), r1(dg1), r1(dbe1),
        D2, r1(db2), r1(dg2), r1(dbe2),
        D3, r1(db3))
    return (xhat, z)

# --- scband reference (transcript-rebuilt; emitter-appended) ---
"""Pipeline reference for scband-improved-gnnauto-encoder-70866960384532 (READ-ONLY COPY).

The authoritative reference and input builder live on the scoring server;
editing this copy changes nothing except your own understanding.
"""

import jax, jax.numpy as jnp
import numpy as np

N = 10000
E = 320000
IN = 128
HID = 128
LAT = 64


def setup_inputs(seed: int = 0) -> dict:
    key = jax.random.key(seed)
    ks = jax.random.split(key, 16)
    x = jax.random.normal(ks[0], (N, IN), dtype=jnp.float32)
    edge_index = jax.random.randint(ks[1], (2, E), 0, N, dtype=jnp.int32)
    def w(k, fan_in, shape):
        return jax.random.normal(k, shape, dtype=jnp.float32) * (1.0 / np.sqrt(fan_in))
    inp = {
        'x': x,
        'edge_index': edge_index,
        'W1': w(ks[2], IN, (IN, HID)),  'b1': jnp.zeros((HID,), jnp.float32),
        'g1': jnp.ones((HID,), jnp.float32), 'be1': jnp.zeros((HID,), jnp.float32),
        'W2': w(ks[3], HID, (HID, HID)), 'b2': jnp.zeros((HID,), jnp.float32),
        'g2': jnp.ones((HID,), jnp.float32), 'be2': jnp.zeros((HID,), jnp.float32),
        'W3': w(ks[4], HID, (HID, LAT)), 'b3': jnp.zeros((LAT,), jnp.float32),
        'D1': w(ks[5], LAT, (LAT, HID)), 'db1': jnp.zeros((HID,), jnp.float32),
        'dg1': jnp.ones((HID,), jnp.float32), 'dbe1': jnp.zeros((HID,), jnp.float32),
        'D2': w(ks[6], HID, (HID, HID)), 'db2': jnp.zeros((HID,), jnp.float32),
        'dg2': jnp.ones((HID,), jnp.float32), 'dbe2': jnp.zeros((HID,), jnp.float32),
        'D3': w(ks[7], HID, (HID, IN)), 'db3': jnp.zeros((IN,), jnp.float32),
    }
    return inp


def _gcn_conv(x, edge_index, W, b):
    n = x.shape[0]
    loop = jnp.arange(n, dtype=edge_index.dtype)
    src = jnp.concatenate([edge_index[0], loop])
    dst = jnp.concatenate([edge_index[1], loop])
    deg = jnp.zeros((n,), x.dtype).at[dst].add(1.0)
    dinv = jnp.where(deg > 0, 1.0 / jnp.sqrt(deg), 0.0)
    norm = dinv[src] * dinv[dst]
    h = x @ W
    out = jnp.zeros((n, W.shape[1]), x.dtype).at[dst].add(norm[:, None] * h[src])
    return out + b


def _bn(x, g, b, eps=1e-5):
    m = x.mean(axis=0)
    v = x.var(axis=0)
    return (x - m) / jnp.sqrt(v + eps) * g + b


def reference(x, edge_index, W1, b1, g1, be1, W2, b2, g2, be2, W3, b3,
              D1, db1, dg1, dbe1, D2, db2, dg2, dbe2, D3, db3):
    # Encoder (dropout is identity in eval; BN uses batch statistics)
    h = jax.nn.relu(_bn(_gcn_conv(x, edge_index, W1, b1), g1, be1))
    h = jax.nn.relu(_bn(_gcn_conv(h, edge_index, W2, b2), g2, be2))
    z = _gcn_conv(h, edge_index, W3, b3)
    # Decoder
    d = jax.nn.relu(_bn(z @ D1 + db1, dg1, dbe1))
    d = jax.nn.relu(_bn(d @ D2 + db2, dg2, dbe2))
    x_hat = d @ D3 + db3
    return (x_hat, z)

if __name__ == "__main__":
    import jax
    _d = setup_inputs()
    print(jax.jit(kernel)(*tuple(_d.values())))

</pallas_src>

<mosaic_0001>
#map = affine_map<(d0, d1) -> (0, 0)>
#map1 = affine_map<(d0, d1) -> (0)>
#map2 = affine_map<(d0, d1) -> (0, 0, 0)>
module attributes {stable_mosaic.version = 14 : i64} {
  func.func @_scatter_kernel(%arg0: i32, %arg1: i32, %arg2: memref<10112x128xf32, #tpu.memory_space<hbm>>, %arg3: memref<327680xi32, #tpu.memory_space<hbm>>, %arg4: memref<327680xi32, #tpu.memory_space<hbm>>, %arg5: memref<10112x128xf32, #tpu.memory_space<hbm>>, %arg6: memref<2x10112x128xf32, #tpu.memory_space<hbm>>, %arg7: memref<128xi32, #tpu.memory_space<vmem>>, %arg8: memref<128xi32, #tpu.memory_space<vmem>>, %arg9: memref<128x128xf32, #tpu.memory_space<vmem>>, %arg10: memref<10112x128xf32, #tpu.memory_space<vmem_shared>>, %arg11: memref<!tpu.dma_semaphore, #tpu.memory_space<semaphore_mem>>) attributes {dimension_semantics = [#tpu.dimension_semantics<core_parallel>, #tpu.dimension_semantics<subcore_parallel>], iteration_bounds = array<i64: 2, 16>, scalar_prefetch = 0 : i64, scratch_operands = 5 : i64, tpu.core_type = #tpu.core_type<sc_vector_subcore>, window_params = [{transform_indices = #map}, {transform_indices = #map1}, {transform_indices = #map1}, {transform_indices = #map}, {transform_indices = #map2}]} {
    %mul3A = arith.constant 16 : i32
    %mul3A_0 = arith.muli %arg0, %mul3A : i32
    %add3A = arith.addi %mul3A_0, %arg1 : i32
    %mul3A_1 = arith.constant 632 : i32
    %mul3A_2 = arith.muli %arg1, %mul3A_1 : i32
    "tpu.region"() ({
      %run_scoped3A = tpu.sem_alloc : memref<!tpu.dma_semaphore, #tpu.memory_space<semaphore_mem>>
      %dma_start3A = arith.constant 0 : i32
      %dma_start3A_9 = tpu.memref_slice %arg10[%mul3A_2, %dma_start3A] : memref<10112x128xf32, #tpu.memory_space<vmem_shared>> -> memref<632x128xf32, #tpu.memory_space<vmem_shared>>
      %dma_start3A_10 = arith.constant 0 : i32
      %dma_start3A_11 = tpu.memref_slice %arg5[%mul3A_2, %dma_start3A_10] : memref<10112x128xf32, #tpu.memory_space<hbm>> -> memref<632x128xf32, #tpu.memory_space<hbm>>
      tpu.enqueue_dma source(%dma_start3A_11 : memref<632x128xf32, #tpu.memory_space<hbm>>) target(%dma_start3A_9 : memref<632x128xf32, #tpu.memory_space<vmem_shared>>) target_semaphore(%run_scoped3A : memref<!tpu.dma_semaphore, #tpu.memory_space<semaphore_mem>>)
      %dma_wait3A = arith.constant 0 : i32
      %dma_wait3A_12 = tpu.memref_slice %arg10[%mul3A_2, %dma_wait3A] : memref<10112x128xf32, #tpu.memory_space<vmem_shared>> -> memref<632x128xf32, #tpu.memory_space<vmem_shared>>
      %dma_wait3A_13 = arith.constant 0 : i32
      %dma_wait3A_14 = tpu.memref_slice %arg5[%mul3A_2, %dma_wait3A_13] : memref<10112x128xf32, #tpu.memory_space<hbm>> -> memref<632x128xf32, #tpu.memory_space<hbm>>
      tpu.wait_dma2 semaphore(%run_scoped3A : memref<!tpu.dma_semaphore, #tpu.memory_space<semaphore_mem>>) src(%dma_wait3A_14 : memref<632x128xf32, #tpu.memory_space<hbm>>) dst(%dma_wait3A_12 : memref<632x128xf32, #tpu.memory_space<vmem_shared>>)
      tpu.yield
    }) : () -> ()
    %barrier3A = arith.constant 0 : index
    tpu.barrier barrier_id(%barrier3A)
    %scan3A = arith.constant 0 : i32
    %scan3A_3 = arith.constant 0 : i32
    %scan3A_4 = arith.constant 80 : i32
    %scan3A_5 = arith.addi %scan3A_3, %scan3A_4 : i32
    %scan3A_6 = arith.constant 1 : i32
    scf.for %scan3A_9 = %scan3A_3 to %scan3A_5 step %scan3A_6  : i32 {
      %mul3A_10 = arith.constant 80 : i32
      %mul3A_11 = arith.muli %add3A, %mul3A_10 : i32
      %add3A_12 = arith.addi %mul3A_11, %scan3A_9 : i32
      %mul3A_13 = arith.constant 128 : i32
      %mul3A_14 = arith.muli %add3A_12, %mul3A_13 : i32
      "tpu.region"() ({
        %run_scoped3A = tpu.sem_alloc : memref<!tpu.dma_semaphore, #tpu.memory_space<semaphore_mem>>
        %dma_start3A_19 = tpu.memref_slice %arg3[%mul3A_14] : memref<327680xi32, #tpu.memory_space<hbm>> -> memref<128xi32, #tpu.memory_space<hbm>>
        %dma_start3A_20 = tpu.memref_slice %arg3[%mul3A_14] : memref<327680xi32, #tpu.memory_space<hbm>> -> memref<128xi32, #tpu.memory_space<hbm>>
        tpu.enqueue_dma source(%dma_start3A_20 : memref<128xi32, #tpu.memory_space<hbm>>) target(%arg7 : memref<128xi32, #tpu.memory_space<vmem>>) target_semaphore(%run_scoped3A : memref<!tpu.dma_semaphore, #tpu.memory_space<semaphore_mem>>)
        %dma_wait3A_21 = tpu.memref_slice %arg3[%mul3A_14] : memref<327680xi32, #tpu.memory_space<hbm>> -> memref<128xi32, #tpu.memory_space<hbm>>
        %dma_wait3A_22 = tpu.memref_slice %arg3[%mul3A_14] : memref<327680xi32, #tpu.memory_space<hbm>> -> memref<128xi32, #tpu.memory_space<hbm>>
        tpu.wait_dma2 semaphore(%run_scoped3A : memref<!tpu.dma_semaphore, #tpu.memory_space<semaphore_mem>>) src(%dma_wait3A_22 : memref<128xi32, #tpu.memory_space<hbm>>) dst(%arg7 : memref<128xi32, #tpu.memory_space<vmem>>)
        tpu.yield
      }) : () -> ()
      "tpu.region"() ({
        %run_scoped3A = tpu.sem_alloc : memref<!tpu.dma_semaphore, #tpu.memory_space<semaphore_mem>>
        %dma_start3A_19 = tpu.memref_slice %arg4[%mul3A_14] : memref<327680xi32, #tpu.memory_space<hbm>> -> memref<128xi32, #tpu.memory_space<hbm>>
        %dma_start3A_20 = tpu.memref_slice %arg4[%mul3A_14] : memref<327680xi32, #tpu.memory_space<hbm>> -> memref<128xi32, #tpu.memory_space<hbm>>
        tpu.enqueue_dma source(%dma_start3A_20 : memref<128xi32, #tpu.memory_space<hbm>>) target(%arg8 : memref<128xi32, #tpu.memory_space<vmem>>) target_semaphore(%run_scoped3A : memref<!tpu.dma_semaphore, #tpu.memory_space<semaphore_mem>>)
        %dma_wait3A_21 = tpu.memref_slice %arg4[%mul3A_14] : memref<327680xi32, #tpu.memory_space<hbm>> -> memref<128xi32, #tpu.memory_space<hbm>>
        %dma_wait3A_22 = tpu.memref_slice %arg4[%mul3A_14] : memref<327680xi32, #tpu.memory_space<hbm>> -> memref<128xi32, #tpu.memory_space<hbm>>
        tpu.wait_dma2 semaphore(%run_scoped3A : memref<!tpu.dma_semaphore, #tpu.memory_space<semaphore_mem>>) src(%dma_wait3A_22 : memref<128xi32, #tpu.memory_space<hbm>>) dst(%arg8 : memref<128xi32, #tpu.memory_space<vmem>>)
        tpu.yield
      }) : () -> ()
      %dma_start3A = arith.constant 0 : i32
      %dma_start3A_15 = arith.constant 0 : i32
      %dma_start3A_16 = tpu.memref_slice %arg2[%dma_start3A, %dma_start3A_15] : memref<10112x128xf32, #tpu.memory_space<hbm>> -> memref<10112x128xf32, #tpu.memory_space<hbm>>
      tpu.enqueue_indirect_dma source(%dma_start3A_16 : memref<10112x128xf32, #tpu.memory_space<hbm>>) target(%arg9 : memref<128x128xf32, #tpu.memory_space<vmem>>) offsets(%arg7 : memref<128xi32, #tpu.memory_space<vmem>>) semaphore(%arg11 : memref<!tpu.dma_semaphore, #tpu.memory_space<semaphore_mem>>)
      %dma_wait3A = arith.constant 0 : i32
      %dma_wait3A_17 = arith.constant 0 : i32
      %dma_wait3A_18 = tpu.memref_slice %arg2[%dma_wait3A, %dma_wait3A_17] : memref<10112x128xf32, #tpu.memory_space<hbm>> -> memref<10112x128xf32, #tpu.memory_space<hbm>>
      tpu.wait_indirect_dma semaphore(%arg11 : memref<!tpu.dma_semaphore, #tpu.memory_space<semaphore_mem>>) src(%dma_wait3A_18 : memref<10112x128xf32, #tpu.memory_space<hbm>>) dst(%arg9 : memref<128x128xf32, #tpu.memory_space<vmem>>)
      "tpu.region"() ({
        %run_scoped3A = tpu.sem_alloc : memref<!tpu.dma_semaphore, #tpu.memory_space<semaphore_mem>>
        %dma_start3A_19 = arith.constant 0 : i32
        %dma_start3A_20 = arith.constant 0 : i32
        %dma_start3A_21 = tpu.memref_slice %arg10[%dma_start3A_19, %dma_start3A_20] : memref<10112x128xf32, #tpu.memory_space<vmem_shared>> -> memref<10112x128xf32, #tpu.memory_space<vmem_shared>>
        tpu.enqueue_indirect_dma source(%arg9 : memref<128x128xf32, #tpu.memory_space<vmem>>) target(%dma_start3A_21 : memref<10112x128xf32, #tpu.memory_space<vmem_shared>>) offsets(%arg8 : memref<128xi32, #tpu.memory_space<vmem>>) semaphore(%run_scoped3A : memref<!tpu.dma_semaphore, #tpu.memory_space<semaphore_mem>>) {add = true}
        %dma_wait3A_22 = arith.constant 0 : i32
        %dma_wait3A_23 = arith.constant 0 : i32
        %dma_wait3A_24 = tpu.memref_slice %arg10[%dma_wait3A_22, %dma_wait3A_23] : memref<10112x128xf32, #tpu.memory_space<vmem_shared>> -> memref<10112x128xf32, #tpu.memory_space<vmem_shared>>
        tpu.wait_indirect_dma semaphore(%run_scoped3A : memref<!tpu.dma_semaphore, #tpu.memory_space<semaphore_mem>>) src(%arg9 : memref<128x128xf32, #tpu.memory_space<vmem>>) dst(%dma_wait3A_24 : memref<10112x128xf32, #tpu.memory_space<vmem_shared>>)
        tpu.yield
      }) : () -> ()
    }
    %scan3A_7 = arith.constant 80 : i32
    %barrier3A_8 = arith.constant 0 : index
    tpu.barrier barrier_id(%barrier3A_8)
    "tpu.region"() ({
      %run_scoped3A = tpu.sem_alloc : memref<!tpu.dma_semaphore, #tpu.memory_space<semaphore_mem>>
      %dma_start3A = arith.constant 0 : i32
      %dma_start3A_9 = arith.constant 0 : i32
      %dma_start3A_10 = tpu.memref_slice %arg6[%arg0, %dma_start3A, %dma_start3A_9] : memref<2x10112x128xf32, #tpu.memory_space<hbm>> -> memref<1x10112x128xf32, #tpu.memory_space<hbm>>
      %dma_start3A_11 = tpu.memref_squeeze %dma_start3A_10 : memref<1x10112x128xf32, #tpu.memory_space<hbm>> -> memref<10112x128xf32, #tpu.memory_space<hbm>>
      %dma_start3A_12 = arith.constant 0 : i32
      %dma_start3A_13 = tpu.memref_slice %dma_start3A_11[%mul3A_2, %dma_start3A_12] : memref<10112x128xf32, #tpu.memory_space<hbm>> -> memref<632x128xf32, #tpu.memory_space<hbm>>
      %dma_start3A_14 = arith.constant 0 : i32
      %dma_start3A_15 = tpu.memref_slice %arg10[%mul3A_2, %dma_start3A_14] : memref<10112x128xf32, #tpu.memory_space<vmem_shared>> -> memref<632x128xf32, #tpu.memory_space<vmem_shared>>
      tpu.enqueue_dma source(%dma_start3A_15 : memref<632x128xf32, #tpu.memory_space<vmem_shared>>) target(%dma_start3A_13 : memref<632x128xf32, #tpu.memory_space<hbm>>) target_semaphore(%run_scoped3A : memref<!tpu.dma_semaphore, #tpu.memory_space<semaphore_mem>>)
      %dma_wait3A = arith.constant 0 : i32
      %dma_wait3A_16 = arith.constant 0 : i32
      %dma_wait3A_17 = tpu.memref_slice %arg6[%arg0, %dma_wait3A, %dma_wait3A_16] : memref<2x10112x128xf32, #tpu.memory_space<hbm>> -> memref<1x10112x128xf32, #tpu.memory_space<hbm>>
      %dma_wait3A_18 = tpu.memref_squeeze %dma_wait3A_17 : memref<1x10112x128xf32, #tpu.memory_space<hbm>> -> memref<10112x128xf32, #tpu.memory_space<hbm>>
      %dma_wait3A_19 = arith.constant 0 : i32
      %dma_wait3A_20 = tpu.memref_slice %dma_wait3A_18[%mul3A_2, %dma_wait3A_19] : memref<10112x128xf32, #tpu.memory_space<hbm>> -> memref<632x128xf32, #tpu.memory_space<hbm>>
      %dma_wait3A_21 = arith.constant 0 : i32
      %dma_wait3A_22 = tpu.memref_slice %arg10[%mul3A_2, %dma_wait3A_21] : memref<10112x128xf32, #tpu.memory_space<vmem_shared>> -> memref<632x128xf32, #tpu.memory_space<vmem_shared>>
      tpu.wait_dma2 semaphore(%run_scoped3A : memref<!tpu.dma_semaphore, #tpu.memory_space<semaphore_mem>>) src(%dma_wait3A_22 : memref<632x128xf32, #tpu.memory_space<vmem_shared>>) dst(%dma_wait3A_20 : memref<632x128xf32, #tpu.memory_space<hbm>>)
      tpu.yield
    }) : () -> ()
    return
  }
}

#map = affine_map<(d0, d1) -> (0)>
#map1 = affine_map<(d0, d1) -> (0, 0)>
#map2 = affine_map<(d0, d1) -> (0, 0, 0)>
module attributes {stable_mosaic.version = 14 : i64} {
  func.func @_deg_kernel(%arg0: i32, %arg1: i32, %arg2: memref<327680xi32, #tpu.memory_space<hbm>>, %arg3: memref<128x128xf32, #tpu.memory_space<hbm>>, %arg4: memref<10112x128xf32, #tpu.memory_space<hbm>>, %arg5: memref<2x10112x128xf32, #tpu.memory_space<hbm>>, %arg6: memref<128xi32, #tpu.memory_space<vmem>>, %arg7: memref<128x128xf32, #tpu.memory_space<vmem>>, %arg8: memref<10112x128xf32, #tpu.memory_space<vmem_shared>>) attributes {dimension_semantics = [#tpu.dimension_semantics<core_parallel>, #tpu.dimension_semantics<subcore_parallel>], iteration_bounds = array<i64: 2, 16>, scalar_prefetch = 0 : i64, scratch_operands = 3 : i64, tpu.core_type = #tpu.core_type<sc_vector_subcore>, window_params = [{transform_indices = #map}, {transform_indices = #map1}, {transform_indices = #map1}, {transform_indices = #map2}]} {
    %mul3A = arith.constant 16 : i32
    %mul3A_0 = arith.muli %arg0, %mul3A : i32
    %add3A = arith.addi %mul3A_0, %arg1 : i32
    %mul3A_1 = arith.constant 632 : i32
    %mul3A_2 = arith.muli %arg1, %mul3A_1 : i32
    "tpu.region"() ({
      %run_scoped3A = tpu.sem_alloc : memref<!tpu.dma_semaphore, #tpu.memory_space<semaphore_mem>>
      tpu.enqueue_dma source(%arg3 : memref<128x128xf32, #tpu.memory_space<hbm>>) target(%arg7 : memref<128x128xf32, #tpu.memory_space<vmem>>) target_semaphore(%run_scoped3A : memref<!tpu.dma_semaphore, #tpu.memory_space<semaphore_mem>>)
      tpu.wait_dma2 semaphore(%run_scoped3A : memref<!tpu.dma_semaphore, #tpu.memory_space<semaphore_mem>>) src(%arg3 : memref<128x128xf32, #tpu.memory_space<hbm>>) dst(%arg7 : memref<128x128xf32, #tpu.memory_space<vmem>>)
      tpu.yield
    }) : () -> ()
    "tpu.region"() ({
      %run_scoped3A = tpu.sem_alloc : memref<!tpu.dma_semaphore, #tpu.memory_space<semaphore_mem>>
      %dma_start3A = arith.constant 0 : i32
      %dma_start3A_9 = tpu.memref_slice %arg8[%mul3A_2, %dma_start3A] : memref<10112x128xf32, #tpu.memory_space<vmem_shared>> -> memref<632x128xf32, #tpu.memory_space<vmem_shared>>
      %dma_start3A_10 = arith.constant 0 : i32
      %dma_start3A_11 = tpu.memref_slice %arg4[%mul3A_2, %dma_start3A_10] : memref<10112x128xf32, #tpu.memory_space<hbm>> -> memref<632x128xf32, #tpu.memory_space<hbm>>
      tpu.enqueue_dma source(%dma_start3A_11 : memref<632x128xf32, #tpu.memory_space<hbm>>) target(%dma_start3A_9 : memref<632x128xf32, #tpu.memory_space<vmem_shared>>) target_semaphore(%run_scoped3A : memref<!tpu.dma_semaphore, #tpu.memory_space<semaphore_mem>>)
      %dma_wait3A = arith.constant 0 : i32
      %dma_wait3A_12 = tpu.memref_slice %arg8[%mul3A_2, %dma_wait3A] : memref<10112x128xf32, #tpu.memory_space<vmem_shared>> -> memref<632x128xf32, #tpu.memory_space<vmem_shared>>
      %dma_wait3A_13 = arith.constant 0 : i32
      %dma_wait3A_14 = tpu.memref_slice %arg4[%mul3A_2, %dma_wait3A_13] : memref<10112x128xf32, #tpu.memory_space<hbm>> -> memref<632x128xf32, #tpu.memory_space<hbm>>
      tpu.wait_dma2 semaphore(%run_scoped3A : memref<!tpu.dma_semaphore, #tpu.memory_space<semaphore_mem>>) src(%dma_wait3A_14 : memref<632x128xf32, #tpu.memory_space<hbm>>) dst(%dma_wait3A_12 : memref<632x128xf32, #tpu.memory_space<vmem_shared>>)
      tpu.yield
    }) : () -> ()
    %barrier3A = arith.constant 0 : index
    tpu.barrier barrier_id(%barrier3A)
    %scan3A = arith.constant 0 : i32
    %scan3A_3 = arith.constant 0 : i32
    %scan3A_4 = arith.constant 80 : i32
    %scan3A_5 = arith.addi %scan3A_3, %scan3A_4 : i32
    %scan3A_6 = arith.constant 1 : i32
    scf.for %scan3A_9 = %scan3A_3 to %scan3A_5 step %scan3A_6  : i32 {
      %mul3A_10 = arith.constant 80 : i32
      %mul3A_11 = arith.muli %add3A, %mul3A_10 : i32
      %add3A_12 = arith.addi %mul3A_11, %scan3A_9 : i32
      %mul3A_13 = arith.constant 128 : i32
      %mul3A_14 = arith.muli %add3A_12, %mul3A_13 : i32
      "tpu.region"() ({
        %run_scoped3A = tpu.sem_alloc : memref<!tpu.dma_semaphore, #tpu.memory_space<semaphore_mem>>
        %dma_start3A = tpu.memref_slice %arg2[%mul3A_14] : memref<327680xi32, #tpu.memory_space<hbm>> -> memref<128xi32, #tpu.memory_space<hbm>>
        %dma_start3A_15 = tpu.memref_slice %arg2[%mul3A_14] : memref<327680xi32, #tpu.memory_space<hbm>> -> memref<128xi32, #tpu.memory_space<hbm>>
        tpu.enqueue_dma source(%dma_start3A_15 : memref<128xi32, #tpu.memory_space<hbm>>) target(%arg6 : memref<128xi32, #tpu.memory_space<vmem>>) target_semaphore(%run_scoped3A : memref<!tpu.dma_semaphore, #tpu.memory_space<semaphore_mem>>)
        %dma_wait3A = tpu.memref_slice %arg2[%mul3A_14] : memref<327680xi32, #tpu.memory_space<hbm>> -> memref<128xi32, #tpu.memory_space<hbm>>
        %dma_wait3A_16 = tpu.memref_slice %arg2[%mul3A_14] : memref<327680xi32, #tpu.memory_space<hbm>> -> memref<128xi32, #tpu.memory_space<hbm>>
        tpu.wait_dma2 semaphore(%run_scoped3A : memref<!tpu.dma_semaphore, #tpu.memory_space<semaphore_mem>>) src(%dma_wait3A_16 : memref<128xi32, #tpu.memory_space<hbm>>) dst(%arg6 : memref<128xi32, #tpu.memory_space<vmem>>)
        tpu.yield
      }) : () -> ()
      "tpu.region"() ({
        %run_scoped3A = tpu.sem_alloc : memref<!tpu.dma_semaphore, #tpu.memory_space<semaphore_mem>>
        %dma_start3A = arith.constant 0 : i32
        %dma_start3A_15 = arith.constant 0 : i32
        %dma_start3A_16 = tpu.memref_slice %arg8[%dma_start3A, %dma_start3A_15] : memref<10112x128xf32, #tpu.memory_space<vmem_shared>> -> memref<10112x128xf32, #tpu.memory_space<vmem_shared>>
        tpu.enqueue_indirect_dma source(%arg7 : memref<128x128xf32, #tpu.memory_space<vmem>>) target(%dma_start3A_16 : memref<10112x128xf32, #tpu.memory_space<vmem_shared>>) offsets(%arg6 : memref<128xi32, #tpu.memory_space<vmem>>) semaphore(%run_scoped3A : memref<!tpu.dma_semaphore, #tpu.memory_space<semaphore_mem>>) {add = true}
        %dma_wait3A = arith.constant 0 : i32
        %dma_wait3A_17 = arith.constant 0 : i32
        %dma_wait3A_18 = tpu.memref_slice %arg8[%dma_wait3A, %dma_wait3A_17] : memref<10112x128xf32, #tpu.memory_space<vmem_shared>> -> memref<10112x128xf32, #tpu.memory_space<vmem_shared>>
        tpu.wait_indirect_dma semaphore(%run_scoped3A : memref<!tpu.dma_semaphore, #tpu.memory_space<semaphore_mem>>) src(%arg7 : memref<128x128xf32, #tpu.memory_space<vmem>>) dst(%dma_wait3A_18 : memref<10112x128xf32, #tpu.memory_space<vmem_shared>>)
        tpu.yield
      }) : () -> ()
    }
    %scan3A_7 = arith.constant 80 : i32
    %barrier3A_8 = arith.constant 0 : index
    tpu.barrier barrier_id(%barrier3A_8)
    "tpu.region"() ({
      %run_scoped3A = tpu.sem_alloc : memref<!tpu.dma_semaphore, #tpu.memory_space<semaphore_mem>>
      %dma_start3A = arith.constant 0 : i32
      %dma_start3A_9 = arith.constant 0 : i32
      %dma_start3A_10 = tpu.memref_slice %arg5[%arg0, %dma_start3A, %dma_start3A_9] : memref<2x10112x128xf32, #tpu.memory_space<hbm>> -> memref<1x10112x128xf32, #tpu.memory_space<hbm>>
      %dma_start3A_11 = tpu.memref_squeeze %dma_start3A_10 : memref<1x10112x128xf32, #tpu.memory_space<hbm>> -> memref<10112x128xf32, #tpu.memory_space<hbm>>
      %dma_start3A_12 = arith.constant 0 : i32
      %dma_start3A_13 = tpu.memref_slice %dma_start3A_11[%mul3A_2, %dma_start3A_12] : memref<10112x128xf32, #tpu.memory_space<hbm>> -> memref<632x128xf32, #tpu.memory_space<hbm>>
      %dma_start3A_14 = arith.constant 0 : i32
      %dma_start3A_15 = tpu.memref_slice %arg8[%mul3A_2, %dma_start3A_14] : memref<10112x128xf32, #tpu.memory_space<vmem_shared>> -> memref<632x128xf32, #tpu.memory_space<vmem_shared>>
      tpu.enqueue_dma source(%dma_start3A_15 : memref<632x128xf32, #tpu.memory_space<vmem_shared>>) target(%dma_start3A_13 : memref<632x128xf32, #tpu.memory_space<hbm>>) target_semaphore(%run_scoped3A : memref<!tpu.dma_semaphore, #tpu.memory_space<semaphore_mem>>)
      %dma_wait3A = arith.constant 0 : i32
      %dma_wait3A_16 = arith.constant 0 : i32
      %dma_wait3A_17 = tpu.memref_slice %arg5[%arg0, %dma_wait3A, %dma_wait3A_16] : memref<2x10112x128xf32, #tpu.memory_space<hbm>> -> memref<1x10112x128xf32, #tpu.memory_space<hbm>>
      %dma_wait3A_18 = tpu.memref_squeeze %dma_wait3A_17 : memref<1x10112x128xf32, #tpu.memory_space<hbm>> -> memref<10112x128xf32, #tpu.memory_space<hbm>>
      %dma_wait3A_19 = arith.constant 0 : i32
      %dma_wait3A_20 = tpu.memref_slice %dma_wait3A_18[%mul3A_2, %dma_wait3A_19] : memref<10112x128xf32, #tpu.memory_space<hbm>> -> memref<632x128xf32, #tpu.memory_space<hbm>>
      %dma_wait3A_21 = arith.constant 0 : i32
      %dma_wait3A_22 = tpu.memref_slice %arg8[%mul3A_2, %dma_wait3A_21] : memref<10112x128xf32, #tpu.memory_space<vmem_shared>> -> memref<632x128xf32, #tpu.memory_space<vmem_shared>>
      tpu.wait_dma2 semaphore(%run_scoped3A : memref<!tpu.dma_semaphore, #tpu.memory_space<semaphore_mem>>) src(%dma_wait3A_22 : memref<632x128xf32, #tpu.memory_space<vmem_shared>>) dst(%dma_wait3A_20 : memref<632x128xf32, #tpu.memory_space<hbm>>)
      tpu.yield
    }) : () -> ()
    return
  }
}

#map = affine_map<(d0, d1) -> (0, 0)>
#map1 = affine_map<(d0, d1) -> (0)>
#map2 = affine_map<(d0, d1) -> (0, 0, 0)>
module attributes {stable_mosaic.version = 14 : i64} {
  func.func @_scatter_kernel(%arg0: i32, %arg1: i32, %arg2: memref<10112x128xf32, #tpu.memory_space<hbm>>, %arg3: memref<327680xi32, #tpu.memory_space<hbm>>, %arg4: memref<327680xi32, #tpu.memory_space<hbm>>, %arg5: memref<10112x128xf32, #tpu.memory_space<hbm>>, %arg6: memref<2x10112x128xf32, #tpu.memory_space<hbm>>, %arg7: memref<128xi32, #tpu.memory_space<vmem>>, %arg8: memref<128xi32, #tpu.memory_space<vmem>>, %arg9: memref<128x128xf32, #tpu.memory_space<vmem>>, %arg10: memref<10112x128xf32, #tpu.memory_space<vmem_shared>>, %arg11: memref<!tpu.dma_semaphore, #tpu.memory_space<semaphore_mem>>) attributes {dimension_semantics = [#tpu.dimension_semantics<core_parallel>, #tpu.dimension_semantics<subcore_parallel>], iteration_bounds = array<i64: 2, 16>, scalar_prefetch = 0 : i64, scratch_operands = 5 : i64, tpu.core_type = #tpu.core_type<sc_vector_subcore>, window_params = [{transform_indices = #map}, {transform_indices = #map1}, {transform_indices = #map1}, {transform_indices = #map}, {transform_indices = #map2}]} {
    %mul3A = arith.constant 16 : i32
    %mul3A_0 = arith.muli %arg0, %mul3A : i32
    %add3A = arith.addi %mul3A_0, %arg1 : i32
    %mul3A_1 = arith.constant 632 : i32
    %mul3A_2 = arith.muli %arg1, %mul3A_1 : i32
    "tpu.region"() ({
      %run_scoped3A = tpu.sem_alloc : memref<!tpu.dma_semaphore, #tpu.memory_space<semaphore_mem>>
      %dma_start3A = arith.constant 0 : i32
      %dma_start3A_9 = tpu.memref_slice %arg10[%mul3A_2, %dma_start3A] : memref<10112x128xf32, #tpu.memory_space<vmem_shared>> -> memref<632x128xf32, #tpu.memory_space<vmem_shared>>
      %dma_start3A_10 = arith.constant 0 : i32
      %dma_start3A_11 = tpu.memref_slice %arg5[%mul3A_2, %dma_start3A_10] : memref<10112x128xf32, #tpu.memory_space<hbm>> -> memref<632x128xf32, #tpu.memory_space<hbm>>
      tpu.enqueue_dma source(%dma_start3A_11 : memref<632x128xf32, #tpu.memory_space<hbm>>) target(%dma_start3A_9 : memref<632x128xf32, #tpu.memory_space<vmem_shared>>) target_semaphore(%run_scoped3A : memref<!tpu.dma_semaphore, #tpu.memory_space<semaphore_mem>>)
      %dma_wait3A = arith.constant 0 : i32
      %dma_wait3A_12 = tpu.memref_slice %arg10[%mul3A_2, %dma_wait3A] : memref<10112x128xf32, #tpu.memory_space<vmem_shared>> -> memref<632x128xf32, #tpu.memory_space<vmem_shared>>
      %dma_wait3A_13 = arith.constant 0 : i32
      %dma_wait3A_14 = tpu.memref_slice %arg5[%mul3A_2, %dma_wait3A_13] : memref<10112x128xf32, #tpu.memory_space<hbm>> -> memref<632x128xf32, #tpu.memory_space<hbm>>
      tpu.wait_dma2 semaphore(%run_scoped3A : memref<!tpu.dma_semaphore, #tpu.memory_space<semaphore_mem>>) src(%dma_wait3A_14 : memref<632x128xf32, #tpu.memory_space<hbm>>) dst(%dma_wait3A_12 : memref<632x128xf32, #tpu.memory_space<vmem_shared>>)
      tpu.yield
    }) : () -> ()
    %barrier3A = arith.constant 0 : index
    tpu.barrier barrier_id(%barrier3A)
    %scan3A = arith.constant 0 : i32
    %scan3A_3 = arith.constant 0 : i32
    %scan3A_4 = arith.constant 80 : i32
    %scan3A_5 = arith.addi %scan3A_3, %scan3A_4 : i32
    %scan3A_6 = arith.constant 1 : i32
    scf.for %scan3A_9 = %scan3A_3 to %scan3A_5 step %scan3A_6  : i32 {
      %mul3A_10 = arith.constant 80 : i32
      %mul3A_11 = arith.muli %add3A, %mul3A_10 : i32
      %add3A_12 = arith.addi %mul3A_11, %scan3A_9 : i32
      %mul3A_13 = arith.constant 128 : i32
      %mul3A_14 = arith.muli %add3A_12, %mul3A_13 : i32
      "tpu.region"() ({
        %run_scoped3A = tpu.sem_alloc : memref<!tpu.dma_semaphore, #tpu.memory_space<semaphore_mem>>
        %dma_start3A_19 = tpu.memref_slice %arg3[%mul3A_14] : memref<327680xi32, #tpu.memory_space<hbm>> -> memref<128xi32, #tpu.memory_space<hbm>>
        %dma_start3A_20 = tpu.memref_slice %arg3[%mul3A_14] : memref<327680xi32, #tpu.memory_space<hbm>> -> memref<128xi32, #tpu.memory_space<hbm>>
        tpu.enqueue_dma source(%dma_start3A_20 : memref<128xi32, #tpu.memory_space<hbm>>) target(%arg7 : memref<128xi32, #tpu.memory_space<vmem>>) target_semaphore(%run_scoped3A : memref<!tpu.dma_semaphore, #tpu.memory_space<semaphore_mem>>)
        %dma_wait3A_21 = tpu.memref_slice %arg3[%mul3A_14] : memref<327680xi32, #tpu.memory_space<hbm>> -> memref<128xi32, #tpu.memory_space<hbm>>
        %dma_wait3A_22 = tpu.memref_slice %arg3[%mul3A_14] : memref<327680xi32, #tpu.memory_space<hbm>> -> memref<128xi32, #tpu.memory_space<hbm>>
        tpu.wait_dma2 semaphore(%run_scoped3A : memref<!tpu.dma_semaphore, #tpu.memory_space<semaphore_mem>>) src(%dma_wait3A_22 : memref<128xi32, #tpu.memory_space<hbm>>) dst(%arg7 : memref<128xi32, #tpu.memory_space<vmem>>)
        tpu.yield
      }) : () -> ()
      "tpu.region"() ({
        %run_scoped3A = tpu.sem_alloc : memref<!tpu.dma_semaphore, #tpu.memory_space<semaphore_mem>>
        %dma_start3A_19 = tpu.memref_slice %arg4[%mul3A_14] : memref<327680xi32, #tpu.memory_space<hbm>> -> memref<128xi32, #tpu.memory_space<hbm>>
        %dma_start3A_20 = tpu.memref_slice %arg4[%mul3A_14] : memref<327680xi32, #tpu.memory_space<hbm>> -> memref<128xi32, #tpu.memory_space<hbm>>
        tpu.enqueue_dma source(%dma_start3A_20 : memref<128xi32, #tpu.memory_space<hbm>>) target(%arg8 : memref<128xi32, #tpu.memory_space<vmem>>) target_semaphore(%run_scoped3A : memref<!tpu.dma_semaphore, #tpu.memory_space<semaphore_mem>>)
        %dma_wait3A_21 = tpu.memref_slice %arg4[%mul3A_14] : memref<327680xi32, #tpu.memory_space<hbm>> -> memref<128xi32, #tpu.memory_space<hbm>>
        %dma_wait3A_22 = tpu.memref_slice %arg4[%mul3A_14] : memref<327680xi32, #tpu.memory_space<hbm>> -> memref<128xi32, #tpu.memory_space<hbm>>
        tpu.wait_dma2 semaphore(%run_scoped3A : memref<!tpu.dma_semaphore, #tpu.memory_space<semaphore_mem>>) src(%dma_wait3A_22 : memref<128xi32, #tpu.memory_space<hbm>>) dst(%arg8 : memref<128xi32, #tpu.memory_space<vmem>>)
        tpu.yield
      }) : () -> ()
      %dma_start3A = arith.constant 0 : i32
      %dma_start3A_15 = arith.constant 0 : i32
      %dma_start3A_16 = tpu.memref_slice %arg2[%dma_start3A, %dma_start3A_15] : memref<10112x128xf32, #tpu.memory_space<hbm>> -> memref<10112x128xf32, #tpu.memory_space<hbm>>
      tpu.enqueue_indirect_dma source(%dma_start3A_16 : memref<10112x128xf32, #tpu.memory_space<hbm>>) target(%arg9 : memref<128x128xf32, #tpu.memory_space<vmem>>) offsets(%arg7 : memref<128xi32, #tpu.memory_space<vmem>>) semaphore(%arg11 : memref<!tpu.dma_semaphore, #tpu.memory_space<semaphore_mem>>)
      %dma_wait3A = arith.constant 0 : i32
      %dma_wait3A_17 = arith.constant 0 : i32
      %dma_wait3A_18 = tpu.memref_slice %arg2[%dma_wait3A, %dma_wait3A_17] : memref<10112x128xf32, #tpu.memory_space<hbm>> -> memref<10112x128xf32, #tpu.memory_space<hbm>>
      tpu.wait_indirect_dma semaphore(%arg11 : memref<!tpu.dma_semaphore, #tpu.memory_space<semaphore_mem>>) src(%dma_wait3A_18 : memref<10112x128xf32, #tpu.memory_space<hbm>>) dst(%arg9 : memref<128x128xf32, #tpu.memory_space<vmem>>)
      "tpu.region"() ({
        %run_scoped3A = tpu.sem_alloc : memref<!tpu.dma_semaphore, #tpu.memory_space<semaphore_mem>>
        %dma_start3A_19 = arith.constant 0 : i32
        %dma_start3A_20 = arith.constant 0 : i32
        %dma_start3A_21 = tpu.memref_slice %arg10[%dma_start3A_19, %dma_start3A_20] : memref<10112x128xf32, #tpu.memory_space<vmem_shared>> -> memref<10112x128xf32, #tpu.memory_space<vmem_shared>>
        tpu.enqueue_indirect_dma source(%arg9 : memref<128x128xf32, #tpu.memory_space<vmem>>) target(%dma_start3A_21 : memref<10112x128xf32, #tpu.memory_space<vmem_shared>>) offsets(%arg8 : memref<128xi32, #tpu.memory_space<vmem>>) semaphore(%run_scoped3A : memref<!tpu.dma_semaphore, #tpu.memory_space<semaphore_mem>>) {add = true}
        %dma_wait3A_22 = arith.constant 0 : i32
        %dma_wait3A_23 = arith.constant 0 : i32
        %dma_wait3A_24 = tpu.memref_slice %arg10[%dma_wait3A_22, %dma_wait3A_23] : memref<10112x128xf32, #tpu.memory_space<vmem_shared>> -> memref<10112x128xf32, #tpu.memory_space<vmem_shared>>
        tpu.wait_indirect_dma semaphore(%run_scoped3A : memref<!tpu.dma_semaphore, #tpu.memory_space<semaphore_mem>>) src(%arg9 : memref<128x128xf32, #tpu.memory_space<vmem>>) dst(%dma_wait3A_24 : memref<10112x128xf32, #tpu.memory_space<vmem_shared>>)
        tpu.yield
      }) : () -> ()
    }
    %scan3A_7 = arith.constant 80 : i32
    %barrier3A_8 = arith.constant 0 : index
    tpu.barrier barrier_id(%barrier3A_8)
    "tpu.region"() ({
      %run_scoped3A = tpu.sem_alloc : memref<!tpu.dma_semaphore, #tpu.memory_space<semaphore_mem>>
      %dma_start3A = arith.constant 0 : i32
      %dma_start3A_9 = arith.constant 0 : i32
      %dma_start3A_10 = tpu.memref_slice %arg6[%arg0, %dma_start3A, %dma_start3A_9] : memref<2x10112x128xf32, #tpu.memory_space<hbm>> -> memref<1x10112x128xf32, #tpu.memory_space<hbm>>
      %dma_start3A_11 = tpu.memref_squeeze %dma_start3A_10 : memref<1x10112x128xf32, #tpu.memory_space<hbm>> -> memref<10112x128xf32, #tpu.memory_space<hbm>>
      %dma_start3A_12 = arith.constant 0 : i32
      %dma_start3A_13 = tpu.memref_slice %dma_start3A_11[%mul3A_2, %dma_start3A_12] : memref<10112x128xf32, #tpu.memory_space<hbm>> -> memref<632x128xf32, #tpu.memory_space<hbm>>
      %dma_start3A_14 = arith.constant 0 : i32
      %dma_start3A_15 = tpu.memref_slice %arg10[%mul3A_2, %dma_start3A_14] : memref<10112x128xf32, #tpu.memory_space<vmem_shared>> -> memref<632x128xf32, #tpu.memory_space<vmem_shared>>
      tpu.enqueue_dma source(%dma_start3A_15 : memref<632x128xf32, #tpu.memory_space<vmem_shared>>) target(%dma_start3A_13 : memref<632x128xf32, #tpu.memory_space<hbm>>) target_semaphore(%run_scoped3A : memref<!tpu.dma_semaphore, #tpu.memory_space<semaphore_mem>>)
      %dma_wait3A = arith.constant 0 : i32
      %dma_wait3A_16 = arith.constant 0 : i32
      %dma_wait3A_17 = tpu.memref_slice %arg6[%arg0, %dma_wait3A, %dma_wait3A_16] : memref<2x10112x128xf32, #tpu.memory_space<hbm>> -> memref<1x10112x128xf32, #tpu.memory_space<hbm>>
      %dma_wait3A_18 = tpu.memref_squeeze %dma_wait3A_17 : memref<1x10112x128xf32, #tpu.memory_space<hbm>> -> memref<10112x128xf32, #tpu.memory_space<hbm>>
      %dma_wait3A_19 = arith.constant 0 : i32
      %dma_wait3A_20 = tpu.memref_slice %dma_wait3A_18[%mul3A_2, %dma_wait3A_19] : memref<10112x128xf32, #tpu.memory_space<hbm>> -> memref<632x128xf32, #tpu.memory_space<hbm>>
      %dma_wait3A_21 = arith.constant 0 : i32
      %dma_wait3A_22 = tpu.memref_slice %arg10[%mul3A_2, %dma_wait3A_21] : memref<10112x128xf32, #tpu.memory_space<vmem_shared>> -> memref<632x128xf32, #tpu.memory_space<vmem_shared>>
      tpu.wait_dma2 semaphore(%run_scoped3A : memref<!tpu.dma_semaphore, #tpu.memory_space<semaphore_mem>>) src(%dma_wait3A_22 : memref<632x128xf32, #tpu.memory_space<vmem_shared>>) dst(%dma_wait3A_20 : memref<632x128xf32, #tpu.memory_space<hbm>>)
      tpu.yield
    }) : () -> ()
    return
  }
}

#map = affine_map<(d0, d1) -> (0, 0)>
#map1 = affine_map<(d0, d1) -> (0)>
#map2 = affine_map<(d0, d1) -> (0, 0, 0)>
module attributes {stable_mosaic.version = 14 : i64} {
  func.func @_scatter_kernel(%arg0: i32, %arg1: i32, %arg2: memref<10112x128xf32, #tpu.memory_space<hbm>>, %arg3: memref<327680xi32, #tpu.memory_space<hbm>>, %arg4: memref<327680xi32, #tpu.memory_space<hbm>>, %arg5: memref<10112x128xf32, #tpu.memory_space<hbm>>, %arg6: memref<2x10112x128xf32, #tpu.memory_space<hbm>>, %arg7: memref<128xi32, #tpu.memory_space<vmem>>, %arg8: memref<128xi32, #tpu.memory_space<vmem>>, %arg9: memref<128x128xf32, #tpu.memory_space<vmem>>, %arg10: memref<10112x128xf32, #tpu.memory_space<vmem_shared>>, %arg11: memref<!tpu.dma_semaphore, #tpu.memory_space<semaphore_mem>>) attributes {dimension_semantics = [#tpu.dimension_semantics<core_parallel>, #tpu.dimension_semantics<subcore_parallel>], iteration_bounds = array<i64: 2, 16>, scalar_prefetch = 0 : i64, scratch_operands = 5 : i64, tpu.core_type = #tpu.core_type<sc_vector_subcore>, window_params = [{transform_indices = #map}, {transform_indices = #map1}, {transform_indices = #map1}, {transform_indices = #map}, {transform_indices = #map2}]} {
    %mul3A = arith.constant 16 : i32
    %mul3A_0 = arith.muli %arg0, %mul3A : i32
    %add3A = arith.addi %mul3A_0, %arg1 : i32
    %mul3A_1 = arith.constant 632 : i32
    %mul3A_2 = arith.muli %arg1, %mul3A_1 : i32
    "tpu.region"() ({
      %run_scoped3A = tpu.sem_alloc : memref<!tpu.dma_semaphore, #tpu.memory_space<semaphore_mem>>
      %dma_start3A = arith.constant 0 : i32
      %dma_start3A_9 = tpu.memref_slice %arg10[%mul3A_2, %dma_start3A] : memref<10112x128xf32, #tpu.memory_space<vmem_shared>> -> memref<632x128xf32, #tpu.memory_space<vmem_shared>>
      %dma_start3A_10 = arith.constant 0 : i32
      %dma_start3A_11 = tpu.memref_slice %arg5[%mul3A_2, %dma_start3A_10] : memref<10112x128xf32, #tpu.memory_space<hbm>> -> memref<632x128xf32, #tpu.memory_space<hbm>>
      tpu.enqueue_dma source(%dma_start3A_11 : memref<632x128xf32, #tpu.memory_space<hbm>>) target(%dma_start3A_9 : memref<632x128xf32, #tpu.memory_space<vmem_shared>>) target_semaphore(%run_scoped3A : memref<!tpu.dma_semaphore, #tpu.memory_space<semaphore_mem>>)
      %dma_wait3A = arith.constant 0 : i32
      %dma_wait3A_12 = tpu.memref_slice %arg10[%mul3A_2, %dma_wait3A] : memref<10112x128xf32, #tpu.memory_space<vmem_shared>> -> memref<632x128xf32, #tpu.memory_space<vmem_shared>>
      %dma_wait3A_13 = arith.constant 0 : i32
      %dma_wait3A_14 = tpu.memref_slice %arg5[%mul3A_2, %dma_wait3A_13] : memref<10112x128xf32, #tpu.memory_space<hbm>> -> memref<632x128xf32, #tpu.memory_space<hbm>>
      tpu.wait_dma2 semaphore(%run_scoped3A : memref<!tpu.dma_semaphore, #tpu.memory_space<semaphore_mem>>) src(%dma_wait3A_14 : memref<632x128xf32, #tpu.memory_space<hbm>>) dst(%dma_wait3A_12 : memref<632x128xf32, #tpu.memory_space<vmem_shared>>)
      tpu.yield
    }) : () -> ()
    %barrier3A = arith.constant 0 : index
    tpu.barrier barrier_id(%barrier3A)
    %scan3A = arith.constant 0 : i32
    %scan3A_3 = arith.constant 0 : i32
    %scan3A_4 = arith.constant 80 : i32
    %scan3A_5 = arith.addi %scan3A_3, %scan3A_4 : i32
    %scan3A_6 = arith.constant 1 : i32
    scf.for %scan3A_9 = %scan3A_3 to %scan3A_5 step %scan3A_6  : i32 {
      %mul3A_10 = arith.constant 80 : i32
      %mul3A_11 = arith.muli %add3A, %mul3A_10 : i32
      %add3A_12 = arith.addi %mul3A_11, %scan3A_9 : i32
      %mul3A_13 = arith.constant 128 : i32
      %mul3A_14 = arith.muli %add3A_12, %mul3A_13 : i32
      "tpu.region"() ({
        %run_scoped3A = tpu.sem_alloc : memref<!tpu.dma_semaphore, #tpu.memory_space<semaphore_mem>>
        %dma_start3A_19 = tpu.memref_slice %arg3[%mul3A_14] : memref<327680xi32, #tpu.memory_space<hbm>> -> memref<128xi32, #tpu.memory_space<hbm>>
        %dma_start3A_20 = tpu.memref_slice %arg3[%mul3A_14] : memref<327680xi32, #tpu.memory_space<hbm>> -> memref<128xi32, #tpu.memory_space<hbm>>
        tpu.enqueue_dma source(%dma_start3A_20 : memref<128xi32, #tpu.memory_space<hbm>>) target(%arg7 : memref<128xi32, #tpu.memory_space<vmem>>) target_semaphore(%run_scoped3A : memref<!tpu.dma_semaphore, #tpu.memory_space<semaphore_mem>>)
        %dma_wait3A_21 = tpu.memref_slice %arg3[%mul3A_14] : memref<327680xi32, #tpu.memory_space<hbm>> -> memref<128xi32, #tpu.memory_space<hbm>>
        %dma_wait3A_22 = tpu.memref_slice %arg3[%mul3A_14] : memref<327680xi32, #tpu.memory_space<hbm>> -> memref<128xi32, #tpu.memory_space<hbm>>
        tpu.wait_dma2 semaphore(%run_scoped3A : memref<!tpu.dma_semaphore, #tpu.memory_space<semaphore_mem>>) src(%dma_wait3A_22 : memref<128xi32, #tpu.memory_space<hbm>>) dst(%arg7 : memref<128xi32, #tpu.memory_space<vmem>>)
        tpu.yield
      }) : () -> ()
      "tpu.region"() ({
        %run_scoped3A = tpu.sem_alloc : memref<!tpu.dma_semaphore, #tpu.memory_space<semaphore_mem>>
        %dma_start3A_19 = tpu.memref_slice %arg4[%mul3A_14] : memref<327680xi32, #tpu.memory_space<hbm>> -> memref<128xi32, #tpu.memory_space<hbm>>
        %dma_start3A_20 = tpu.memref_slice %arg4[%mul3A_14] : memref<327680xi32, #tpu.memory_space<hbm>> -> memref<128xi32, #tpu.memory_space<hbm>>
        tpu.enqueue_dma source(%dma_start3A_20 : memref<128xi32, #tpu.memory_space<hbm>>) target(%arg8 : memref<128xi32, #tpu.memory_space<vmem>>) target_semaphore(%run_scoped3A : memref<!tpu.dma_semaphore, #tpu.memory_space<semaphore_mem>>)
        %dma_wait3A_21 = tpu.memref_slice %arg4[%mul3A_14] : memref<327680xi32, #tpu.memory_space<hbm>> -> memref<128xi32, #tpu.memory_space<hbm>>
        %dma_wait3A_22 = tpu.memref_slice %arg4[%mul3A_14] : memref<327680xi32, #tpu.memory_space<hbm>> -> memref<128xi32, #tpu.memory_space<hbm>>
        tpu.wait_dma2 semaphore(%run_scoped3A : memref<!tpu.dma_semaphore, #tpu.memory_space<semaphore_mem>>) src(%dma_wait3A_22 : memref<128xi32, #tpu.memory_space<hbm>>) dst(%arg8 : memref<128xi32, #tpu.memory_space<vmem>>)
        tpu.yield
      }) : () -> ()
      %dma_start3A = arith.constant 0 : i32
      %dma_start3A_15 = arith.constant 0 : i32
      %dma_start3A_16 = tpu.memref_slice %arg2[%dma_start3A, %dma_start3A_15] : memref<10112x128xf32, #tpu.memory_space<hbm>> -> memref<10112x128xf32, #tpu.memory_space<hbm>>
      tpu.enqueue_indirect_dma source(%dma_start3A_16 : memref<10112x128xf32, #tpu.memory_space<hbm>>) target(%arg9 : memref<128x128xf32, #tpu.memory_space<vmem>>) offsets(%arg7 : memref<128xi32, #tpu.memory_space<vmem>>) semaphore(%arg11 : memref<!tpu.dma_semaphore, #tpu.memory_space<semaphore_mem>>)
      %dma_wait3A = arith.constant 0 : i32
      %dma_wait3A_17 = arith.constant 0 : i32
      %dma_wait3A_18 = tpu.memref_slice %arg2[%dma_wait3A, %dma_wait3A_17] : memref<10112x128xf32, #tpu.memory_space<hbm>> -> memref<10112x128xf32, #tpu.memory_space<hbm>>
      tpu.wait_indirect_dma semaphore(%arg11 : memref<!tpu.dma_semaphore, #tpu.memory_space<semaphore_mem>>) src(%dma_wait3A_18 : memref<10112x128xf32, #tpu.memory_space<hbm>>) dst(%arg9 : memref<128x128xf32, #tpu.memory_space<vmem>>)
      "tpu.region"() ({
        %run_scoped3A = tpu.sem_alloc : memref<!tpu.dma_semaphore, #tpu.memory_space<semaphore_mem>>
        %dma_start3A_19 = arith.constant 0 : i32
        %dma_start3A_20 = arith.constant 0 : i32
        %dma_start3A_21 = tpu.memref_slice %arg10[%dma_start3A_19, %dma_start3A_20] : memref<10112x128xf32, #tpu.memory_space<vmem_shared>> -> memref<10112x128xf32, #tpu.memory_space<vmem_shared>>
        tpu.enqueue_indirect_dma source(%arg9 : memref<128x128xf32, #tpu.memory_space<vmem>>) target(%dma_start3A_21 : memref<10112x128xf32, #tpu.memory_space<vmem_shared>>) offsets(%arg8 : memref<128xi32, #tpu.memory_space<vmem>>) semaphore(%run_scoped3A : memref<!tpu.dma_semaphore, #tpu.memory_space<semaphore_mem>>) {add = true}
        %dma_wait3A_22 = arith.constant 0 : i32
        %dma_wait3A_23 = arith.constant 0 : i32
        %dma_wait3A_24 = tpu.memref_slice %arg10[%dma_wait3A_22, %dma_wait3A_23] : memref<10112x128xf32, #tpu.memory_space<vmem_shared>> -> memref<10112x128xf32, #tpu.memory_space<vmem_shared>>
        tpu.wait_indirect_dma semaphore(%run_scoped3A : memref<!tpu.dma_semaphore, #tpu.memory_space<semaphore_mem>>) src(%arg9 : memref<128x128xf32, #tpu.memory_space<vmem>>) dst(%dma_wait3A_24 : memref<10112x128xf32, #tpu.memory_space<vmem_shared>>)
        tpu.yield
      }) : () -> ()
    }
    %scan3A_7 = arith.constant 80 : i32
    %barrier3A_8 = arith.constant 0 : index
    tpu.barrier barrier_id(%barrier3A_8)
    "tpu.region"() ({
      %run_scoped3A = tpu.sem_alloc : memref<!tpu.dma_semaphore, #tpu.memory_space<semaphore_mem>>
      %dma_start3A = arith.constant 0 : i32
      %dma_start3A_9 = arith.constant 0 : i32
      %dma_start3A_10 = tpu.memref_slice %arg6[%arg0, %dma_start3A, %dma_start3A_9] : memref<2x10112x128xf32, #tpu.memory_space<hbm>> -> memref<1x10112x128xf32, #tpu.memory_space<hbm>>
      %dma_start3A_11 = tpu.memref_squeeze %dma_start3A_10 : memref<1x10112x128xf32, #tpu.memory_space<hbm>> -> memref<10112x128xf32, #tpu.memory_space<hbm>>
      %dma_start3A_12 = arith.constant 0 : i32
      %dma_start3A_13 = tpu.memref_slice %dma_start3A_11[%mul3A_2, %dma_start3A_12] : memref<10112x128xf32, #tpu.memory_space<hbm>> -> memref<632x128xf32, #tpu.memory_space<hbm>>
      %dma_start3A_14 = arith.constant 0 : i32
      %dma_start3A_15 = tpu.memref_slice %arg10[%mul3A_2, %dma_start3A_14] : memref<10112x128xf32, #tpu.memory_space<vmem_shared>> -> memref<632x128xf32, #tpu.memory_space<vmem_shared>>
      tpu.enqueue_dma source(%dma_start3A_15 : memref<632x128xf32, #tpu.memory_space<vmem_shared>>) target(%dma_start3A_13 : memref<632x128xf32, #tpu.memory_space<hbm>>) target_semaphore(%run_scoped3A : memref<!tpu.dma_semaphore, #tpu.memory_space<semaphore_mem>>)
      %dma_wait3A = arith.constant 0 : i32
      %dma_wait3A_16 = arith.constant 0 : i32
      %dma_wait3A_17 = tpu.memref_slice %arg6[%arg0, %dma_wait3A, %dma_wait3A_16] : memref<2x10112x128xf32, #tpu.memory_space<hbm>> -> memref<1x10112x128xf32, #tpu.memory_space<hbm>>
      %dma_wait3A_18 = tpu.memref_squeeze %dma_wait3A_17 : memref<1x10112x128xf32, #tpu.memory_space<hbm>> -> memref<10112x128xf32, #tpu.memory_space<hbm>>
      %dma_wait3A_19 = arith.constant 0 : i32
      %dma_wait3A_20 = tpu.memref_slice %dma_wait3A_18[%mul3A_2, %dma_wait3A_19] : memref<10112x128xf32, #tpu.memory_space<hbm>> -> memref<632x128xf32, #tpu.memory_space<hbm>>
      %dma_wait3A_21 = arith.constant 0 : i32
      %dma_wait3A_22 = tpu.memref_slice %arg10[%mul3A_2, %dma_wait3A_21] : memref<10112x128xf32, #tpu.memory_space<vmem_shared>> -> memref<632x128xf32, #tpu.memory_space<vmem_shared>>
      tpu.wait_dma2 semaphore(%run_scoped3A : memref<!tpu.dma_semaphore, #tpu.memory_space<semaphore_mem>>) src(%dma_wait3A_22 : memref<632x128xf32, #tpu.memory_space<vmem_shared>>) dst(%dma_wait3A_20 : memref<632x128xf32, #tpu.memory_space<hbm>>)
      tpu.yield
    }) : () -> ()
    return
  }
}

module attributes {stable_mosaic.version = 14 : i64} {
  func.func @_first_body(%arg0: memref<10112x128xf32, #tpu.memory_space<vmem>>, %arg1: memref<10112x128xf32, #tpu.memory_space<vmem>>, %arg2: memref<10112x128xf32, #tpu.memory_space<vmem>>, %arg3: memref<128x128xf32, #tpu.memory_space<vmem>>, %arg4: memref<10112x128xf32, #tpu.memory_space<vmem>>) attributes {dimension_semantics = [], scalar_prefetch = 0 : i64, scratch_operands = 0 : i64, tpu.core_type = #tpu.core_type<tc>} {
    %get3A = arith.constant 0 : index
    %get3A_0 = arith.constant 0 : index
    %get3A_1 = vector.load %arg0[%get3A, %get3A_0] : memref<10112x128xf32, #tpu.memory_space<vmem>>, vector<10112x1xf32>
    %get3A_2 = arith.constant 0 : index
    %get3A_3 = arith.constant 0 : index
    %get3A_4 = vector.load %arg1[%get3A_2, %get3A_3] : memref<10112x128xf32, #tpu.memory_space<vmem>>, vector<10112x1xf32>
    %add3A = arith.addf %get3A_1, %get3A_4 : vector<10112x1xf32>
    %add3A_5 = arith.constant 1.000000e+00 : f32
    %add3A_6 = vector.broadcast %add3A_5 : f32 to vector<10112x1xf32>
    %add3A_7 = arith.addf %add3A, %add3A_6 : vector<10112x1xf32>
    %sqrt3A = math.sqrt %add3A_7 : vector<10112x1xf32>
    %div3A = arith.constant 1.000000e+00 : f32
    %div3A_8 = vector.broadcast %div3A : f32 to vector<10112x1xf32>
    %div3A_9 = arith.divf %div3A_8, %sqrt3A : vector<10112x1xf32>
    %get3A_10 = arith.constant 0 : index
    %get3A_11 = arith.constant 0 : index
    %get3A_12 = vector.load %arg2[%get3A_10, %get3A_11] : memref<10112x128xf32, #tpu.memory_space<vmem>>, vector<10112x128xf32>
    %get3A_13 = arith.constant 0 : index
    %get3A_14 = arith.constant 0 : index
    %get3A_15 = vector.load %arg3[%get3A_13, %get3A_14] : memref<128x128xf32, #tpu.memory_space<vmem>>, vector<128x128xf32>
    %dot_general3A = arith.constant dense<0.000000e+00> : vector<10112x128xf32>
    %dot_general3A_16 = tpu.matmul %get3A_12, %get3A_15, %dot_general3A {dimension_numbers = #tpu.dot_dimension_numbers<[1], [0], [0], [1], [0, 0, 1, 1], [], []>, transpose_lhs_hint = false} : vector<10112x128xf32>, vector<128x128xf32>, vector<10112x128xf32> -> vector<10112x128xf32>
    %mul3A = vector.broadcast %div3A_9 : vector<10112x1xf32> to vector<10112x128xf32>
    %mul3A_17 = arith.mulf %dot_general3A_16, %mul3A : vector<10112x128xf32>
    %swap3A = arith.constant 0 : index
    %swap3A_18 = arith.constant 0 : index
    %swap3A_19 = vector.load %arg4[%swap3A, %swap3A_18] : memref<10112x128xf32, #tpu.memory_space<vmem>>, vector<10112x128xf32>
    tpu.vector_store %arg4[%swap3A, %swap3A_18], %mul3A_17 {strides = array<i32>} : memref<10112x128xf32, #tpu.memory_space<vmem>>, vector<10112x128xf32>,
    return
  }
}

module attributes {stable_mosaic.version = 14 : i64} {
  func.func @_mid_body(%arg0: memref<10112x128xf32, #tpu.memory_space<vmem>>, %arg1: memref<10112x128xf32, #tpu.memory_space<vmem>>, %arg2: memref<2x10112x128xf32, #tpu.memory_space<vmem>>, %arg3: memref<10112x128xf32, #tpu.memory_space<vmem>>, %arg4: memref<1x128xf32, #tpu.memory_space<vmem>>, %arg5: memref<1x128xf32, #tpu.memory_space<vmem>>, %arg6: memref<1x128xf32, #tpu.memory_space<vmem>>, %arg7: memref<128x128xf32, #tpu.memory_space<vmem>>, %arg8: memref<10112x128xf32, #tpu.memory_space<vmem>>) attributes {dimension_semantics = [], scalar_prefetch = 0 : i64, scratch_operands = 0 : i64, tpu.core_type = #tpu.core_type<tc>} {
    %get3A = arith.constant 0 : index
    %get3A_0 = arith.constant 0 : index
    %get3A_1 = vector.load %arg0[%get3A, %get3A_0] : memref<10112x128xf32, #tpu.memory_space<vmem>>, vector<10112x1xf32>
    %get3A_2 = arith.constant 0 : index
    %get3A_3 = arith.constant 0 : index
    %get3A_4 = vector.load %arg1[%get3A_2, %get3A_3] : memref<10112x128xf32, #tpu.memory_space<vmem>>, vector<10112x1xf32>
    %add3A = arith.addf %get3A_1, %get3A_4 : vector<10112x1xf32>
    %add3A_5 = arith.constant 1.000000e+00 : f32
    %add3A_6 = vector.broadcast %add3A_5 : f32 to vector<10112x1xf32>
    %add3A_7 = arith.addf %add3A, %add3A_6 : vector<10112x1xf32>
    %sqrt3A = math.sqrt %add3A_7 : vector<10112x1xf32>
    %div3A = arith.constant 1.000000e+00 : f32
    %div3A_8 = vector.broadcast %div3A : f32 to vector<10112x1xf32>
    %div3A_9 = arith.divf %div3A_8, %sqrt3A : vector<10112x1xf32>
    %get3A_10 = arith.constant 0 : index
    %get3A_11 = arith.constant 0 : index
    %get3A_12 = arith.constant 0 : index
    %get3A_13 = vector.load %arg2[%get3A_10, %get3A_11, %get3A_12] : memref<2x10112x128xf32, #tpu.memory_space<vmem>>, vector<1x10112x128xf32>
    %get3A_14 = vector.shape_cast %get3A_13 : vector<1x10112x128xf32> to vector<10112x128xf32>
    %get3A_15 = arith.constant 1 : index
    %get3A_16 = arith.constant 0 : index
    %get3A_17 = arith.constant 0 : index
    %get3A_18 = vector.load %arg2[%get3A_15, %get3A_16, %get3A_17] : memref<2x10112x128xf32, #tpu.memory_space<vmem>>, vector<1x10112x128xf32>
    %get3A_19 = vector.shape_cast %get3A_18 : vector<1x10112x128xf32> to vector<10112x128xf32>
    %add3A_20 = arith.addf %get3A_14, %get3A_19 : vector<10112x128xf32>
    %get3A_21 = arith.constant 0 : index
    %get3A_22 = arith.constant 0 : index
    %get3A_23 = vector.load %arg3[%get3A_21, %get3A_22] : memref<10112x128xf32, #tpu.memory_space<vmem>>, vector<10112x128xf32>
    %add3A_24 = arith.addf %add3A_20, %get3A_23 : vector<10112x128xf32>
    %mul3A = vector.broadcast %div3A_9 : vector<10112x1xf32> to vector<10112x128xf32>
    %mul3A_25 = arith.mulf %mul3A, %add3A_24 : vector<10112x128xf32>
    %get3A_26 = arith.constant 0 : index
    %get3A_27 = arith.constant 0 : index
    %get3A_28 = vector.load %arg4[%get3A_26, %get3A_27] : memref<1x128xf32, #tpu.memory_space<vmem>>, vector<1x128xf32>
    %add3A_29 = vector.broadcast %get3A_28 : vector<1x128xf32> to vector<10112x128xf32>
    %add3A_30 = arith.addf %mul3A_25, %add3A_29 : vector<10112x128xf32>
    %slice3A = vector.extract_strided_slice %add3A_30 {offsets = [0, 0], sizes = [10000, 128], strides = [1, 1]} : vector<10112x128xf32> to vector<10000x128xf32>
    %reduce_sum3A = arith.constant dense<0.000000e+00> : vector<128xf32>
    %reduce_sum3A_31 = vector.multi_reduction <add>, %slice3A, %reduce_sum3A [0] : vector<10000x128xf32> to vector<128xf32>
    %broadcast_in_dim3A = vector.shape_cast %reduce_sum3A_31 : vector<128xf32> to vector<1x128xf32>
    %div3A_32 = arith.constant 1.000000e+04 : f32
    %div3A_33 = vector.broadcast %div3A_32 : f32 to vector<1x128xf32>
    %div3A_34 = arith.divf %broadcast_in_dim3A, %div3A_33 : vector<1x128xf32>
    %sub3A = vector.broadcast %div3A_34 : vector<1x128xf32> to vector<10000x128xf32>
    %sub3A_35 = arith.subf %slice3A, %sub3A : vector<10000x128xf32>
    %integer_pow3A = arith.mulf %sub3A_35, %sub3A_35 : vector<10000x128xf32>
    %reduce_sum3A_36 = arith.constant dense<0.000000e+00> : vector<128xf32>
    %reduce_sum3A_37 = vector.multi_reduction <add>, %integer_pow3A, %reduce_sum3A_36 [0] : vector<10000x128xf32> to vector<128xf32>
    %broadcast_in_dim3A_38 = vector.shape_cast %reduce_sum3A_37 : vector<128xf32> to vector<1x128xf32>
    %div3A_39 = arith.constant 1.000000e+04 : f32
    %div3A_40 = vector.broadcast %div3A_39 : f32 to vector<1x128xf32>
    %div3A_41 = arith.divf %broadcast_in_dim3A_38, %div3A_40 : vector<1x128xf32>
    %sub3A_42 = vector.broadcast %div3A_34 : vector<1x128xf32> to vector<10112x128xf32>
    %sub3A_43 = arith.subf %add3A_30, %sub3A_42 : vector<10112x128xf32>
    %add3A_44 = arith.constant 9.99999974E-6 : f32
    %add3A_45 = vector.broadcast %add3A_44 : f32 to vector<1x128xf32>
    %add3A_46 = arith.addf %div3A_41, %add3A_45 : vector<1x128xf32>
    %sqrt3A_47 = math.sqrt %add3A_46 : vector<1x128xf32>
    %div3A_48 = vector.broadcast %sqrt3A_47 : vector<1x128xf32> to vector<10112x128xf32>
    %div3A_49 = arith.divf %sub3A_43, %div3A_48 : vector<10112x128xf32>
    %get3A_50 = arith.constant 0 : index
    %get3A_51 = arith.constant 0 : index
    %get3A_52 = vector.load %arg5[%get3A_50, %get3A_51] : memref<1x128xf32, #tpu.memory_space<vmem>>, vector<1x128xf32>
    %mul3A_53 = vector.broadcast %get3A_52 : vector<1x128xf32> to vector<10112x128xf32>
    %mul3A_54 = arith.mulf %div3A_49, %mul3A_53 : vector<10112x128xf32>
    %get3A_55 = arith.constant 0 : index
    %get3A_56 = arith.constant 0 : index
    %get3A_57 = vector.load %arg6[%get3A_55, %get3A_56] : memref<1x128xf32, #tpu.memory_space<vmem>>, vector<1x128xf32>
    %add3A_58 = vector.broadcast %get3A_57 : vector<1x128xf32> to vector<10112x128xf32>
    %add3A_59 = arith.addf %mul3A_54, %add3A_58 : vector<10112x128xf32>
    %max3A = arith.constant 0.000000e+00 : f32
    %max3A_60 = vector.broadcast %max3A : f32 to vector<10112x128xf32>
    %max3A_61 = arith.maximumf %add3A_59, %max3A_60 : vector<10112x128xf32>
    %iota3A = tpu.iota {dimensions = array<i32: 0>} : vector<10112x128xi32>
    %lt3A = arith.constant 10000 : i32
    %lt3A_62 = vector.broadcast %lt3A : i32 to vector<10112x128xi32>
    %lt3A_63 = arith.cmpi slt, %iota3A, %lt3A_62 : vector<10112x128xi32>
    %jit3A = arith.constant 0.000000e+00 : f32
    %broadcast_in_dim3A_64 = vector.broadcast %jit3A : f32 to vector<10112x128xf32>
    %select_n3A = arith.select %lt3A_63, %max3A_61, %broadcast_in_dim3A_64 : vector<10112x128xi1>, vector<10112x128xf32>
    %get3A_65 = arith.constant 0 : index
    %get3A_66 = arith.constant 0 : index
    %get3A_67 = vector.load %arg7[%get3A_65, %get3A_66] : memref<128x128xf32, #tpu.memory_space<vmem>>, vector<128x128xf32>
    %dot_general3A = arith.constant dense<0.000000e+00> : vector<10112x128xf32>
    %dot_general3A_68 = tpu.matmul %select_n3A, %get3A_67, %dot_general3A {dimension_numbers = #tpu.dot_dimension_numbers<[1], [0], [0], [1], [0, 0, 1, 1], [], []>, transpose_lhs_hint = false} : vector<10112x128xf32>, vector<128x128xf32>, vector<10112x128xf32> -> vector<10112x128xf32>
    %mul3A_69 = vector.broadcast %div3A_9 : vector<10112x1xf32> to vector<10112x128xf32>
    %mul3A_70 = arith.mulf %dot_general3A_68, %mul3A_69 : vector<10112x128xf32>
    %swap3A = arith.constant 0 : index
    %swap3A_71 = arith.constant 0 : index
    %swap3A_72 = vector.load %arg8[%swap3A, %swap3A_71] : memref<10112x128xf32, #tpu.memory_space<vmem>>, vector<10112x128xf32>
    tpu.vector_store %arg8[%swap3A, %swap3A_71], %mul3A_70 {strides = array<i32>} : memref<10112x128xf32, #tpu.memory_space<vmem>>, vector<10112x128xf32>,
    return
  }
}

module attributes {stable_mosaic.version = 14 : i64} {
  func.func @_dec_body(%arg0: memref<10112x128xf32, #tpu.memory_space<vmem>>, %arg1: memref<10112x128xf32, #tpu.memory_space<vmem>>, %arg2: memref<2x10112x128xf32, #tpu.memory_space<vmem>>, %arg3: memref<10112x128xf32, #tpu.memory_space<vmem>>, %arg4: memref<1x64xf32, #tpu.memory_space<vmem>>, %arg5: memref<64x128xf32, #tpu.memory_space<vmem>>, %arg6: memref<1x128xf32, #tpu.memory_space<vmem>>, %arg7: memref<1x128xf32, #tpu.memory_space<vmem>>, %arg8: memref<1x128xf32, #tpu.memory_space<vmem>>, %arg9: memref<128x128xf32, #tpu.memory_space<vmem>>, %arg10: memref<1x128xf32, #tpu.memory_space<vmem>>, %arg11: memref<1x128xf32, #tpu.memory_space<vmem>>, %arg12: memref<1x128xf32, #tpu.memory_space<vmem>>, %arg13: memref<128x128xf32, #tpu.memory_space<vmem>>, %arg14: memref<1x128xf32, #tpu.memory_space<vmem>>, %arg15: memref<10000x128xf32, #tpu.memory_space<vmem>>, %arg16: memref<10000x64xf32, #tpu.memory_space<vmem>>) attributes {dimension_semantics = [], scalar_prefetch = 0 : i64, scratch_operands = 0 : i64, tpu.core_type = #tpu.core_type<tc>} {
    %get3A = arith.constant 0 : index
    %get3A_0 = arith.constant 0 : index
    %get3A_1 = vector.load %arg0[%get3A, %get3A_0] : memref<10112x128xf32, #tpu.memory_space<vmem>>, vector<10112x1xf32>
    %get3A_2 = arith.constant 0 : index
    %get3A_3 = arith.constant 0 : index
    %get3A_4 = vector.load %arg1[%get3A_2, %get3A_3] : memref<10112x128xf32, #tpu.memory_space<vmem>>, vector<10112x1xf32>
    %add3A = arith.addf %get3A_1, %get3A_4 : vector<10112x1xf32>
    %add3A_5 = arith.constant 1.000000e+00 : f32
    %add3A_6 = vector.broadcast %add3A_5 : f32 to vector<10112x1xf32>
    %add3A_7 = arith.addf %add3A, %add3A_6 : vector<10112x1xf32>
    %sqrt3A = math.sqrt %add3A_7 : vector<10112x1xf32>
    %div3A = arith.constant 1.000000e+00 : f32
    %div3A_8 = vector.broadcast %div3A : f32 to vector<10112x1xf32>
    %div3A_9 = arith.divf %div3A_8, %sqrt3A : vector<10112x1xf32>
    %get3A_10 = arith.constant 0 : index
    %get3A_11 = arith.constant 0 : index
    %get3A_12 = arith.constant 0 : index
    %get3A_13 = vector.load %arg2[%get3A_10, %get3A_11, %get3A_12] : memref<2x10112x128xf32, #tpu.memory_space<vmem>>, vector<1x10112x128xf32>
    %get3A_14 = vector.shape_cast %get3A_13 : vector<1x10112x128xf32> to vector<10112x128xf32>
    %get3A_15 = arith.constant 1 : index
    %get3A_16 = arith.constant 0 : index
    %get3A_17 = arith.constant 0 : index
    %get3A_18 = vector.load %arg2[%get3A_15, %get3A_16, %get3A_17] : memref<2x10112x128xf32, #tpu.memory_space<vmem>>, vector<1x10112x128xf32>
    %get3A_19 = vector.shape_cast %get3A_18 : vector<1x10112x128xf32> to vector<10112x128xf32>
    %add3A_20 = arith.addf %get3A_14, %get3A_19 : vector<10112x128xf32>
    %get3A_21 = arith.constant 0 : index
    %get3A_22 = arith.constant 0 : index
    %get3A_23 = vector.load %arg3[%get3A_21, %get3A_22] : memref<10112x128xf32, #tpu.memory_space<vmem>>, vector<10112x128xf32>
    %add3A_24 = arith.addf %add3A_20, %get3A_23 : vector<10112x128xf32>
    %mul3A = vector.broadcast %div3A_9 : vector<10112x1xf32> to vector<10112x128xf32>
    %mul3A_25 = arith.mulf %mul3A, %add3A_24 : vector<10112x128xf32>
    %slice3A = vector.extract_strided_slice %mul3A_25 {offsets = [0, 0], sizes = [10000, 64], strides = [1, 1]} : vector<10112x128xf32> to vector<10000x64xf32>
    %get3A_26 = arith.constant 0 : index
    %get3A_27 = arith.constant 0 : index
    %get3A_28 = vector.load %arg4[%get3A_26, %get3A_27] : memref<1x64xf32, #tpu.memory_space<vmem>>, vector<1x64xf32>
    %add3A_29 = vector.broadcast %get3A_28 : vector<1x64xf32> to vector<10000x64xf32>
    %add3A_30 = arith.addf %slice3A, %add3A_29 : vector<10000x64xf32>
    %swap3A = arith.constant 0 : index
    %swap3A_31 = arith.constant 0 : index
    %swap3A_32 = vector.load %arg16[%swap3A, %swap3A_31] : memref<10000x64xf32, #tpu.memory_space<vmem>>, vector<10000x64xf32>
    tpu.vector_store %arg16[%swap3A, %swap3A_31], %add3A_30 {strides = array<i32>} : memref<10000x64xf32, #tpu.memory_space<vmem>>, vector<10000x64xf32>,
    %get3A_33 = arith.constant 0 : index
    %get3A_34 = arith.constant 0 : index
    %get3A_35 = vector.load %arg5[%get3A_33, %get3A_34] : memref<64x128xf32, #tpu.memory_space<vmem>>, vector<64x128xf32>
    %dot_general3A = arith.constant dense<0.000000e+00> : vector<10000x128xf32>
    %dot_general3A_36 = tpu.matmul %add3A_30, %get3A_35, %dot_general3A {dimension_numbers = #tpu.dot_dimension_numbers<[1], [0], [0], [1], [0, 0, 1, 1], [], []>, transpose_lhs_hint = false} : vector<10000x64xf32>, vector<64x128xf32>, vector<10000x128xf32> -> vector<10000x128xf32>
    %get3A_37 = arith.constant 0 : index
    %get3A_38 = arith.constant 0 : index
    %get3A_39 = vector.load %arg6[%get3A_37, %get3A_38] : memref<1x128xf32, #tpu.memory_space<vmem>>, vector<1x128xf32>
    %add3A_40 = vector.broadcast %get3A_39 : vector<1x128xf32> to vector<10000x128xf32>
    %add3A_41 = arith.addf %dot_general3A_36, %add3A_40 : vector<10000x128xf32>
    %get3A_42 = arith.constant 0 : index
    %get3A_43 = arith.constant 0 : index
    %get3A_44 = vector.load %arg7[%get3A_42, %get3A_43] : memref<1x128xf32, #tpu.memory_space<vmem>>, vector<1x128xf32>
    %get3A_45 = arith.constant 0 : index
    %get3A_46 = arith.constant 0 : index
    %get3A_47 = vector.load %arg8[%get3A_45, %get3A_46] : memref<1x128xf32, #tpu.memory_space<vmem>>, vector<1x128xf32>
    %reduce_sum3A = arith.constant dense<0.000000e+00> : vector<128xf32>
    %reduce_sum3A_48 = vector.multi_reduction <add>, %add3A_41, %reduce_sum3A [0] : vector<10000x128xf32> to vector<128xf32>
    %broadcast_in_dim3A = vector.shape_cast %reduce_sum3A_48 : vector<128xf32> to vector<1x128xf32>
    %div3A_49 = arith.constant 1.000000e+04 : f32
    %div3A_50 = vector.broadcast %div3A_49 : f32 to vector<1x128xf32>
    %div3A_51 = arith.divf %broadcast_in_dim3A, %div3A_50 : vector<1x128xf32>
    %sub3A = vector.broadcast %div3A_51 : vector<1x128xf32> to vector<10000x128xf32>
    %sub3A_52 = arith.subf %add3A_41, %sub3A : vector<10000x128xf32>
    %integer_pow3A = arith.mulf %sub3A_52, %sub3A_52 : vector<10000x128xf32>
    %reduce_sum3A_53 = arith.constant dense<0.000000e+00> : vector<128xf32>
    %reduce_sum3A_54 = vector.multi_reduction <add>, %integer_pow3A, %reduce_sum3A_53 [0] : vector<10000x128xf32> to vector<128xf32>
    %broadcast_in_dim3A_55 = vector.shape_cast %reduce_sum3A_54 : vector<128xf32> to vector<1x128xf32>
    %div3A_56 = arith.constant 1.000000e+04 : f32
    %div3A_57 = vector.broadcast %div3A_56 : f32 to vector<1x128xf32>
    %div3A_58 = arith.divf %broadcast_in_dim3A_55, %div3A_57 : vector<1x128xf32>
    %sub3A_59 = vector.broadcast %div3A_51 : vector<1x128xf32> to vector<10000x128xf32>
    %sub3A_60 = arith.subf %add3A_41, %sub3A_59 : vector<10000x128xf32>
    %add3A_61 = arith.constant 9.99999974E-6 : f32
    %add3A_62 = vector.broadcast %add3A_61 : f32 to vector<1x128xf32>
    %add3A_63 = arith.addf %div3A_58, %add3A_62 : vector<1x128xf32>
    %sqrt3A_64 = math.sqrt %add3A_63 : vector<1x128xf32>
    %div3A_65 = vector.broadcast %sqrt3A_64 : vector<1x128xf32> to vector<10000x128xf32>
    %div3A_66 = arith.divf %sub3A_60, %div3A_65 : vector<10000x128xf32>
    %mul3A_67 = vector.broadcast %get3A_44 : vector<1x128xf32> to vector<10000x128xf32>
    %mul3A_68 = arith.mulf %div3A_66, %mul3A_67 : vector<10000x128xf32>
    %add3A_69 = vector.broadcast %get3A_47 : vector<1x128xf32> to vector<10000x128xf32>
    %add3A_70 = arith.addf %mul3A_68, %add3A_69 : vector<10000x128xf32>
    %max3A = arith.constant 0.000000e+00 : f32
    %max3A_71 = vector.broadcast %max3A : f32 to vector<10000x128xf32>
    %max3A_72 = arith.maximumf %add3A_70, %max3A_71 : vector<10000x128xf32>
    %get3A_73 = arith.constant 0 : index
    %get3A_74 = arith.constant 0 : index
    %get3A_75 = vector.load %arg9[%get3A_73, %get3A_74] : memref<128x128xf32, #tpu.memory_space<vmem>>, vector<128x128xf32>
    %dot_general3A_76 = arith.constant dense<0.000000e+00> : vector<10000x128xf32>
    %dot_general3A_77 = tpu.matmul %max3A_72, %get3A_75, %dot_general3A_76 {dimension_numbers = #tpu.dot_dimension_numbers<[1], [0], [0], [1], [0, 0, 1, 1], [], []>, transpose_lhs_hint = false} : vector<10000x128xf32>, vector<128x128xf32>, vector<10000x128xf32> -> vector<10000x128xf32>
    %get3A_78 = arith.constant 0 : index
    %get3A_79 = arith.constant 0 : index
    %get3A_80 = vector.load %arg10[%get3A_78, %get3A_79] : memref<1x128xf32, #tpu.memory_space<vmem>>, vector<1x128xf32>
    %add3A_81 = vector.broadcast %get3A_80 : vector<1x128xf32> to vector<10000x128xf32>
    %add3A_82 = arith.addf %dot_general3A_77, %add3A_81 : vector<10000x128xf32>
    %get3A_83 = arith.constant 0 : index
    %get3A_84 = arith.constant 0 : index
    %get3A_85 = vector.load %arg11[%get3A_83, %get3A_84] : memref<1x128xf32, #tpu.memory_space<vmem>>, vector<1x128xf32>
    %get3A_86 = arith.constant 0 : index
    %get3A_87 = arith.constant 0 : index
    %get3A_88 = vector.load %arg12[%get3A_86, %get3A_87] : memref<1x128xf32, #tpu.memory_space<vmem>>, vector<1x128xf32>
    %reduce_sum3A_89 = arith.constant dense<0.000000e+00> : vector<128xf32>
    %reduce_sum3A_90 = vector.multi_reduction <add>, %add3A_82, %reduce_sum3A_89 [0] : vector<10000x128xf32> to vector<128xf32>
    %broadcast_in_dim3A_91 = vector.shape_cast %reduce_sum3A_90 : vector<128xf32> to vector<1x128xf32>
    %div3A_92 = arith.constant 1.000000e+04 : f32
    %div3A_93 = vector.broadcast %div3A_92 : f32 to vector<1x128xf32>
    %div3A_94 = arith.divf %broadcast_in_dim3A_91, %div3A_93 : vector<1x128xf32>
    %sub3A_95 = vector.broadcast %div3A_94 : vector<1x128xf32> to vector<10000x128xf32>
    %sub3A_96 = arith.subf %add3A_82, %sub3A_95 : vector<10000x128xf32>
    %integer_pow3A_97 = arith.mulf %sub3A_96, %sub3A_96 : vector<10000x128xf32>
    %reduce_sum3A_98 = arith.constant dense<0.000000e+00> : vector<128xf32>
    %reduce_sum3A_99 = vector.multi_reduction <add>, %integer_pow3A_97, %reduce_sum3A_98 [0] : vector<10000x128xf32> to vector<128xf32>
    %broadcast_in_dim3A_100 = vector.shape_cast %reduce_sum3A_99 : vector<128xf32> to vector<1x128xf32>
    %div3A_101 = arith.constant 1.000000e+04 : f32
    %div3A_102 = vector.broadcast %div3A_101 : f32 to vector<1x128xf32>
    %div3A_103 = arith.divf %broadcast_in_dim3A_100, %div3A_102 : vector<1x128xf32>
    %sub3A_104 = vector.broadcast %div3A_94 : vector<1x128xf32> to vector<10000x128xf32>
    %sub3A_105 = arith.subf %add3A_82, %sub3A_104 : vector<10000x128xf32>
    %add3A_106 = arith.constant 9.99999974E-6 : f32
    %add3A_107 = vector.broadcast %add3A_106 : f32 to vector<1x128xf32>
    %add3A_108 = arith.addf %div3A_103, %add3A_107 : vector<1x128xf32>
    %sqrt3A_109 = math.sqrt %add3A_108 : vector<1x128xf32>
    %div3A_110 = vector.broadcast %sqrt3A_109 : vector<1x128xf32> to vector<10000x128xf32>
    %div3A_111 = arith.divf %sub3A_105, %div3A_110 : vector<10000x128xf32>
    %mul3A_112 = vector.broadcast %get3A_85 : vector<1x128xf32> to vector<10000x128xf32>
    %mul3A_113 = arith.mulf %div3A_111, %mul3A_112 : vector<10000x128xf32>
    %add3A_114 = vector.broadcast %get3A_88 : vector<1x128xf32> to vector<10000x128xf32>
    %add3A_115 = arith.addf %mul3A_113, %add3A_114 : vector<10000x128xf32>
    %max3A_116 = arith.constant 0.000000e+00 : f32
    %max3A_117 = vector.broadcast %max3A_116 : f32 to vector<10000x128xf32>
    %max3A_118 = arith.maximumf %add3A_115, %max3A_117 : vector<10000x128xf32>
    %get3A_119 = arith.constant 0 : index
    %get3A_120 = arith.constant 0 : index
    %get3A_121 = vector.load %arg13[%get3A_119, %get3A_120] : memref<128x128xf32, #tpu.memory_space<vmem>>, vector<128x128xf32>
    %dot_general3A_122 = arith.constant dense<0.000000e+00> : vector<10000x128xf32>
    %dot_general3A_123 = tpu.matmul %max3A_118, %get3A_121, %dot_general3A_122 {dimension_numbers = #tpu.dot_dimension_numbers<[1], [0], [0], [1], [0, 0, 1, 1], [], []>, transpose_lhs_hint = false} : vector<10000x128xf32>, vector<128x128xf32>, vector<10000x128xf32> -> vector<10000x128xf32>
    %get3A_124 = arith.constant 0 : index
    %get3A_125 = arith.constant 0 : index
    %get3A_126 = vector.load %arg14[%get3A_124, %get3A_125] : memref<1x128xf32, #tpu.memory_space<vmem>>, vector<1x128xf32>
    %add3A_127 = vector.broadcast %get3A_126 : vector<1x128xf32> to vector<10000x128xf32>
    %add3A_128 = arith.addf %dot_general3A_123, %add3A_127 : vector<10000x128xf32>
    %swap3A_129 = arith.constant 0 : index
    %swap3A_130 = arith.constant 0 : index
    %swap3A_131 = vector.load %arg15[%swap3A_129, %swap3A_130] : memref<10000x128xf32, #tpu.memory_space<vmem>>, vector<10000x128xf32>
    tpu.vector_store %arg15[%swap3A_129, %swap3A_130], %add3A_128 {strides = array<i32>} : memref<10000x128xf32, #tpu.memory_space<vmem>>, vector<10000x128xf32>,
    return
  }
}

</mosaic_0001>

<sc_bundles>
// kernel: kernel.10.cloned.1.call-start
scs
__scs_entry_jumppad:
0x0: {  	(pc) =	sbr.rel $0x88, $3  }
0x1: {  	(tag) =	ssettag $0x0;
	lr =	simm.s32 $0x1  }
0x2: {  	[smem:$0x3F8B] =	sst lr;
	_ =	strace $0xD0000000  }
0x3: {  	_ = 	snop  }
0x4: {  	_ = 	snop  }
0x5: {  	_ = 	snop  }
0x6: {  	_ = 	snop  }
0x7: {  	_ = 	snop  }
__scs_overlays_trampoline_lowered:
0x8: {  	[smem:$0x3F9A] =	sst s0  }
0x9: {  	[smem:$0x3F9B] =	sst s1  }
0xa: {  	[smem:$0x3F9C] =	sst s2  }
0xb: {  	[smem:$0x3F9D] =	sst s3  }
0xc: {  	[smem:$0x3F9E] =	sst s4  }
0xd: {  	[smem:$0x3F9F] =	sst s5  }
0xe: {  	[smem:$0x3FA0] =	sst s6  }
0xf: {  	[smem:$0x3FA1] =	sst s7  }
0x10: {  	[smem:$0x3FA2] =	sst s8  }
0x11: {  	[smem:$0x3FA3] =	sst s9;
	s0 =	simm.s32 @!p0 $0x0  }
0x12: {  	s1 =	sld [smem:$0x3F89];
	s0 =	simm.s32 @p0 $0x1  }
0x13: {  	[smem:$0x3FA4] =	sst s0;
	s0 =	simm.s32 @!p1 $0x0  }
0x14: {  	s2 =	sld [smem:$0x3F88];
	s0 =	simm.s32 @p1 $0x1  }
0x15: {  	[smem:$0x3FA5] =	sst s0;
	s0 =	simm.s32 @!p2 $0x0  }
0x16: {  	s3 =	sld [smem:$0x3FDB];
	s0 =	simm.s32 @p2 $0x1  }
0x17: {  	s4 =	simm.s32 $0x1BF5;
	[smem:$0x3FA7] =	sst s0  }
0x18: {  	s0 =	sld [smem:$0x3F8A];
	_ =	swait.ge [sflag:s4], $0x0  }
0x19: {  	s7 =	sld [smem:$0x3F8B]  }
0x1a: {  	s8 =	sadd.s32 $0xFFFFE003, lr  }
0x1b: {  	s9 =	sadd.s32 $0xFFFFFEF7, lr;
	s5 =	simm.s32 $0xFFFFFFFF;
	p2 =	slt.u32 s8, $0xFFFFF086  }
0x1c: {  	p1 =	slt.u32 s9, $0xF7A;
	s5 =	simm.s32 @!p2 $0x0  }
0x1d: {  	s5 =	simm.s32 @p1 $0x1;
	p0 =	seq.s32 s7, s2  }
0x1e: {  	s7 =	smul.u32 @!p0 $0xF7A, s2;
	p2 =	seq.s32 @!p0 s5, $0x0  }
0x1f: {  	s9 =	smul.u32 $0xF7A, s1;
	s8 =	simm.s32 @!p0 $0x1BF5;
	p2 =	por !p2, p0  }
0x20: {  	[sflag:s8] =	ssyncset.s32 @!p0 $0xFFFFF086;
	s6 =	sadd.s32 @!p0 s3, s7;
	s7 =	simm.s32 @!p0 $0x108  }
0x21: {  	s3 =	sadd.s32 s3, s9;
	s6 =	sadd.s32 @!p0 $0x88, s6;
	s7 =	simm.s32 @p2 $0x1082  }
0x22: {  	[simem:s7], [sflag:s8] =	dma.local @!p0 [hbm:s6], $0xF7A  }
0x23: {  	s9 =	sor.u32 $0xD0000000, s2;
	s6 =	simm.s32 $0x108;
	_ =	swait.ge @!p0 [sflag:s8], $0x0  }
0x24: {  	s3 =	sadd.s32 $0x88, s3;
	s6 =	simm.s32 @!p1 $0x1082;
	[sflag:s4] =	ssyncset.s32 $0xFFFFF086  }
0x25: {  	[simem:s6], [sflag:s4] =	dma.local [hbm:s3], $0xF7A  }
0x26: {  	[smem:$0x3F8B] =	sst s1;
	(tag) =	ssettag s2;
	_ =	strace s9  }
0x27: {  	s1 =	sld [smem:$0x3F9B]  }
0x28: {  	s2 =	sld [smem:$0x3F9C]  }
0x29: {  	s4 =	sld [smem:$0x3F9E]  }
0x2a: {  	p0 =	seq.s32 s5, $0x0;
	s5 =	sld [smem:$0x3F9F]  }
0x2b: {  	s6 =	sld [smem:$0x3FA0]  }
0x2c: {  	s7 =	sld [smem:$0x3FA1]  }
0x2d: {  	s3 =	simm.s32 $0x108;
	s8 =	sld [smem:$0x3FA2]  }
0x2e: {  	s3 =	simm.s32 @!p0 $0x1082;
	s9 =	sld [smem:$0x3FA3]  }
0x2f: {  	lr =	sadd.s32 s0, s3;
	s0 =	sld [smem:$0x3F9A]  }
0x30: {  	s3 =	sld [smem:$0x3F9D]  }
0x31: {  	[smem:$0x3FA6] =	sst s10  }
0x32: {  	s10 =	sld [smem:$0x3FA4];
	_ =	sdelay $0x3  }
0x33: {  	p0 =	seq.s32 s10, $0x1;
	s10 =	sld [smem:$0x3FA6];
	_ =	sdelay $0x3  }
0x34: {  	[smem:$0x3FA6] =	sst s10  }
0x35: {  	s10 =	sld [smem:$0x3FA5];
	_ =	sdelay $0x3  }
0x36: {  	p1 =	seq.s32 s10, $0x1;
	s10 =	sld [smem:$0x3FA6];
	_ =	sdelay $0x3  }
0x37: {  	[smem:$0x3FA6] =	sst s10  }
0x38: {  	s10 =	sld [smem:$0x3FA7]  }
0x39: {  	_ = 	snop;
	(pc) =	sbr.ind lr, $3  }
0x3a: {  	_ = 	snop  }
0x3b: {  	_ = 	snop  }
0x3c: {  	p2 =	seq.s32 s10, $0x1;
	s10 =	sld [smem:$0x3FA6]  }
0x3d: {  	_ =	shalt  }
0x3e: {  	_ =	shalt  }
0x3f: {  	_ =	shalt  }
0x40: {  	_ =	shalt  }
0x41: {  	_ =	shalt  }
0x42: {  	_ =	shalt  }
0x43: {  	_ =	shalt  }
0x44: {  	_ =	shalt  }
0x45: {  	_ =	shalt  }
0x46: {  	_ =	shalt  }
0x47: {  	_ =	shalt  }
0x48: {  	_ =	shalt  }
0x49: {  	_ =	shalt  }
0x4a: {  	_ =	shalt  }
0x4b: {  	_ =	shalt  }
0x4c: {  	_ =	shalt  }
0x4d: {  	_ =	shalt  }
0x4e: {  	_ =	shalt  }
0x4f: {  	_ =	shalt  }
0x50: {  	_ =	shalt  }
0x51: {  	_ =	shalt  }
0x52: {  	_ =	shalt  }
0x53: {  	_ =	shalt  }
0x54: {  	_ =	shalt  }
0x55: {  	_ =	shalt  }
0x56: {  	_ =	shalt  }
0x57: {  	_ =	shalt  }
0x58: {  	_ =	shalt  }
0x59: {  	_ =	shalt  }
0x5a: {  	_ =	shalt  }
0x5b: {  	_ =	shalt  }
0x5c: {  	_ =	shalt  }
0x5d: {  	_ =	shalt  }
0x5e: {  	_ =	shalt  }
0x5f: {  	_ =	shalt  }
0x60: {  	_ =	shalt  }
0x61: {  	_ =	shalt  }
0x62: {  	_ =	shalt  }
0x63: {  	_ =	shalt  }
0x64: {  	_ =	shalt  }
0x65: {  	_ =	shalt  }
0x66: {  	_ =	shalt  }
0x67: {  	_ =	shalt  }
0x68: {  	_ =	shalt  }
0x69: {  	_ =	shalt  }
0x6a: {  	_ =	shalt  }
0x6b: {  	_ =	shalt  }
0x6c: {  	_ =	shalt  }
0x6d: {  	_ =	shalt  }
0x6e: {  	_ =	shalt  }
0x6f: {  	_ =	shalt  }
0x70: {  	_ =	shalt  }
0x71: {  	_ =	shalt  }
0x72: {  	_ =	shalt  }
0x73: {  	_ =	shalt  }
0x74: {  	_ =	shalt  }
0x75: {  	_ =	shalt  }
0x76: {  	_ =	shalt  }
0x77: {  	_ =	shalt  }
0x78: {  	_ =	shalt  }
0x79: {  	_ =	shalt  }
0x7a: {  	_ =	shalt  }
0x7b: {  	_ =	shalt  }
0x7c: {  	_ =	shalt  }
0x7d: {  	_ =	shalt  }
0x7e: {  	_ =	shalt  }
0x7f: {  	_ =	shalt  }
0x80: {  	_ =	shalt  }
0x81: {  	_ =	shalt  }
0x82: {  	_ =	shalt  }
0x83: {  	_ =	shalt  }
0x84: {  	_ =	shalt  }
0x85: {  	_ =	shalt  }
0x86: {  	_ =	shalt  }
0x87: {  	_ =	shalt  }
.Lfunc_end0:
.L_simem_size_0:
called_computation_lowered:
.L_overlay_start_0:
0x88: {  	s2 =	sld [smem:$0x3FD9]  }
0x89: {  	s3 =	sld [smem:$0x3FFE];
	_ =	sdelay $0x1  }
0x8a: {  	s1 =	srdreg.scid  }
0x8b: {  	s0 =	sand.u32 $0x1, s1  }
0x8c: {  	s14 =	sshll.u32 s0, $0xA;
	s2 =	sadd.s32 s3, s2  }
0x8d: {  	s2 =	sadd.s32 s2, s14  }
0x8e: {  	[smem:$0x3FB2] =	sst s2  }
0x8f: {  	_ = 	snop  }
0x90: {  	s2 =	sld [smem:$0x3FD0];
	_ =	sdelay $0x2  }
0x91: {  	s15 =	simm.s32 $0xA;
	s4 =	simm.s32 $0x10  }
0x92: {  	[smem:s4], [sflag:s15] =	dma.local [hbm:s2], $0x1  }
0x93: {  	_ =	swait.eq [sflag:s15], $0x1  }
0x94: {  	[sflag:s15] =	ssyncset.done $0x0  }
0x95: {  	[sflag:s15] =	ssyncadd.s32 $0xFFFFFFFF  }
0x96: {  	s16 =	sld [smem:$0x10];
	(tm) =	ssettm $0x1  }
0x97: {  	s17 =	sld [smem:$0x3FFB];
	_ =	sdelay $0x3  }
0x98: {  	_ =	strace s17  }
0x99: {  	s3 =	sld [smem:$0x3FFC];
	_ =	sdelay $0x3  }
0x9a: {  	_ =	strace s3  }
0x9b: {  	s3 =	sld [smem:$0x3FFD];
	_ =	sdelay $0x3  }
0x9c: {  	_ =	strace s3  }
0x9d: {  	_ =	strace $0x8FFFFFFF  }
0x9e: {  	s18 =	sld [smem:$0x3FDB];
	_ =	sdelay $0x1  }
0x9f: {  	s19 =	simm.s32 $_scs_section_size  }
0xa0: {  	s5 =	simm.s32 $_size__tile_overlayer_lowered;
	s6 =	simm.s32 $_tile_overlayer_lowered  }
0xa1: {  	s22 =	simm.s32 $0x1BFF;
	s21 =	sshll.u32 s6, $0x1;
	s3 =	sadd.s32 s19, s18  }
0xa2: {  	s7 =	simm.s32 $0x0;
	s20 =	sshll.u32 s5, $0x1;
	s5 =	sadd.s32 s21, s3  }
0xa3: {  	[timem:s7], [sflag:s22] =	dma.local [hbm:s5], s20  }
0xa4: {  	_ =	swait.ge [sflag:s22], s20  }
0xa5: {  	s4 =	ssub.s32 $0x0, s20;
	[sflag:s22] =	ssyncset.done $0x0  }
0xa6: {  	[sflag:s22] =	ssyncadd.s32 s4;
	_ =	sdelay $0x1  }
0xa7: {  	s23 =	simm.s32 $0x1B8B  }
0xa8: {  	_ =	swait.ge [sflag:s23], $0x1  }
0xa9: {  	[sflag:s23] =	ssyncset.done $0x0  }
0xaa: {  	s25 =	simm.s32 $0x1B8E;
	s24 =	sld [smem:$0x3FFE];
	[sflag:s23] =	ssyncadd.s32 $0xFFFFFFFF  }
0xab: {  	s26 =	simm.s32 $execute0_lowered;
	[smem:$0x3FD2] =	sst s25  }
0xac: {  	s5 =	sshll.u32 s26, $0x1;
	_ =	strace $0x80000046;
	[dreg:$0x1] =	wrdreg $0xFFFFFFFF  }
0xad: {  	s28 =	simm.s32 $_size_execute0_lowered;
	s3 =	sadd.s32 s3, s5;
	[dreg:$0x0] =	wrdreg $0x0  }
0xae: {  	s5 =	sshll.u32 s28, $0x1;
	[dreg:$0x2] =	wrdreg s3  }
0xaf: {  	[dreg:$0x3] =	wrdreg s5  }
0xb0: {  	[dreg:$0x4] =	wrdreg $0xC0  }
0xb1: {  	_ =	task [dreg:s7], $0x5FFFF  }
0xb2: {  	[dreg:$0x1] =	wrdreg $0xFFFFFFFF  }
0xb3: {  	[dreg:$0x0] =	wrdreg $0x60  }
0xb4: {  	[dreg:$0x2] =	wrdreg s16  }
0xb5: {  	[dreg:$0x3] =	wrdreg s24  }
0xb6: {  	[dreg:$0x4] =	wrdreg $0x40800  }
0xb7: {  	[dreg:$0x5] =	wrdreg $0x9  }
0xb8: {  	_ =	task.clear_ibuf [dreg:s7], $0x6FFFF;
	_ =	strace $0x90000046  }
0xb9: {  	s29 =	simm.s32 $0x9;
	_ =	strace $0x80000048  }
0xba: {  	_ =	swait.ge [sflag:s29], $0x1  }
0xbb: {  	[sflag:s29] =	ssyncadd.s32 $0xFFFFFFFF  }
0xbc: {  	_ =	strace $0x90000048  }
0xbd: {  	_ =	sfence  }
0xbe: {  	s30 =	sld [smem:$0x0];
	_ =	sdelay $0x2  }
0xbf: {  	s31 =	sshll.u32 s1, $0xD;
	s1 =	sshrl.u32 s1, $0x2  }
0xc0: {  	s3 =	sand.u32 $0x4000, s31;
	s1 =	sadd.s32 s1, s30  }
0xc1: {  	s0 =	sor.u32 s3, s0;
	s1 =	sshll.u32 s1, $0x11  }
0xc2: {  	s0 =	sor.u32 s1, s0  }
0xc3: {  	s0 =	sadd.s32 $0x8F2B, s0  }
0xc4: {  	[sflag:s0] =	ssyncadd.remote.s32 $0x1  }
0xc5: {  	_ =	sfence.sel $0xFFFF  }
0xc6: {  	[dreg:$0x0] =	wrdreg $0xFFFFFFFF;
	(pc) =	sbr.abs _section_cstart, $3  }
0xc7: {  	[dreg:$0x1] =	wrdreg $0xFFFFFFFF  }
0xc8: {  	_ =	task.clear_ibuf [dreg:s7], $0x2FFFF;
	_ =	strace $0x9FFFFFFF  }
0xc9: {  	(tm) =	ssettm $0x7FFFFFFF  }
tec
execute0_lowered:
.L_overlay_start_1:
0x0: {  	(tag) =	ssettag $0x1  }
0x1: {  	s6 =	rddreg [dreg:$0x0]  }
0x2: {  	s5 =	rddreg [dreg:$0x1]  }
0x3: {  	s2 =	rddreg [dreg:$0x2]  }
0x4: {  	s0 =	rddreg [dreg:$0x3];
	s1 =	stileid.u32  }
0x5: {  	s4 =	srdreg.scid;
	s3 =	simm.s32 $0x0;
	s12 =	smul.u32 $0x2780, s1  }
0x6: {  	s7 =	sand.u32 $0x1, s4;
	[smem:$0x7FF] =	sst s3;
	s9 =	smul.u32 $0x4F000, s1  }
0x7: {  	s4 =	sadd.s32 $0x5000, s5;
	s30 =	smul.u32 $0x500, s1;
	s31 =	sshll.u32 s1, $0x6  }
0x8: {  	s8 =	smul.u32 $0x27800, s7;
	_ =	strace $0x80000047;
	s29 =	ssub.s32 $0x2, s7  }
0x9: {  	s7 =	smul.u32 $0x5000, s7;
	s10 =	sadd.s32 s12, s5;
	s11 =	sshrl.u32 s29, $0x1  }
0xa: {  	s9 =	sshrl.u32 s9, $0x2;
	s8 =	sadd.s32 s8, s5;
	s11 =	ssub.s32 s29, s11  }
0xb: {  	s13 =	sadd.s32 s9, s2;
	s5 =	sadd.s32 $0x5800, s10;
	s7 =	sadd.s32 s7, s6  }
0xc: {  	s9 =	simm.s32 $0x1;
	s10 =	sor.u32 $0x1C01, s31;
	s14 =	sadd.s32 $0x2D000, s8  }
0xd: {  	s6 =	smax.u32 s11, $0x1;
	s7 =	sadd.s32 s30, s7;
	s8 =	simm.s32 $0x80  }
0xe: {  	s11 =	sshrl.u32 s13, $0x3;
	s13 =	simm.s32 $0x0;
	s12 =	sadd.s32 s12, s14  }
.LBB2_1:
0xf: {  	[tilespmem:s8], [sflag:$0x1] =	stream.linear.gather [hbm4b:s4+s3], $0x4000, $0x38;
	[tilespmem:$0x17C80] =	vst v63  }
0x10: {  	_ =	swait.ge [sflag:s9], $0x4000  }
0x11: {  	[sflag:s9] =	ssyncset.done $0x0  }
0x12: {  	[sflag:s9] =	ssyncadd.s32 $0xFFFFC000  }
0x13: {  	[spmem:s11], [sflag:s10] =	dma.local [hbm:s5], $0x2780  }
0x14: {  	_ =	swait.ge [sflag:s9], $0x2780  }
0x15: {  	[sflag:s9] =	ssyncset.done $0x0  }
0x16: {  	[sflag:s9] =	ssyncadd.s32 $0xFFFFD880  }
0x17: {  	s14 =	sadd.s32 $0x0, s7;
	[bflag:$0x0] =	sbarrier.arrive $0xFFFF  }
0x18: {  	[tilespmem:s3], [sflag:$0x1] =	stream.linear.gather [hbm4b:s14+s3], $0x80, $0x38;
	[tilespmem:$0x17C80] =	vst v63  }
0x19: {  	_ =	swait.ge [sflag:s9], $0x80  }
0x1a: {  	[sflag:s9] =	ssyncset.done $0x0  }
0x1b: {  	[sflag:s9] =	ssyncadd.s32 $0xFFFFFF80  }
0x1c: {  	[spmem:s2] =	stream.indirect.scatter.add.f32 [tilespmem:s8], [sflag:$0x1], $0x80, s3, s8, $0xb8;
	[tilespmem:$0x17C80] =	vst v63  }
0x1d: {  	_ =	swait.ge [sflag:s9], $0x4000  }
0x1e: {  	s15 =	simm.s32 $0x20;
	s14 =	simm.s32 $0x10;
	[sflag:s9] =	ssyncset.done $0x0  }
.LBB2_2:
0x1f: {  	s16 =	sadd.s32 s14, s7  }
0x20: {  	[sflag:s9] =	ssyncadd.s32 $0xFFFFC000;
	s14 =	smov.u32 s15;
	s17 =	sadd.s32 $0x10, s15  }
0x21: {  	[tilespmem:s3], [sflag:$0x1] =	stream.linear.gather [hbm4b:s16+s3], $0x80, $0x38;
	[tilespmem:$0x17C80] =	vst v63  }
0x22: {  	p0 =	sne.s32 s15, $0x4F0;
	_ =	swait.ge [sflag:s9], $0x80  }
.Ltmp0:
0x23: {  	[sflag:s9] =	ssyncset.done $0x0;
	(pc) =	sbr.rel @p0 .LBB2_2-.Ltmp0, $4  }
0x24: {  	[sflag:s9] =	ssyncadd.s32 $0xFFFFFF80  }
0x25: {  	[spmem:s2] =	stream.indirect.scatter.add.f32 [tilespmem:s8], [sflag:$0x1], $0x80, s3, s8, $0xb8;
	[tilespmem:$0x17C80] =	vst v63  }
0x26: {  	_ =	swait.ge [sflag:s9], $0x4000  }
0x27: {  	s15 =	smov.u32 s17;
	[sflag:s9] =	ssyncset.done $0x0  }
0x28: {  	s14 =	sadd.s32 s14, s7;
	[sflag:s9] =	ssyncadd.s32 $0xFFFFC000  }
0x29: {  	[tilespmem:s3], [sflag:$0x1] =	stream.linear.gather [hbm4b:s14+s3], $0x80, $0x38;
	[tilespmem:$0x17C80] =	vst v63  }
0x2a: {  	_ =	swait.ge [sflag:s9], $0x80  }
0x2b: {  	[sflag:s9] =	ssyncset.done $0x0  }
0x2c: {  	[sflag:s9] =	ssyncadd.s32 $0xFFFFFF80  }
0x2d: {  	[spmem:s2] =	stream.indirect.scatter.add.f32 [tilespmem:s8], [sflag:$0x1], $0x80, s3, s8, $0xb8;
	[tilespmem:$0x17C80] =	vst v63  }
0x2e: {  	_ =	swait.ge [sflag:s9], $0x4000  }
0x2f: {  	s13 =	sadd.s32 $0x1, s13;
	[sflag:s9] =	ssyncset.done $0x0  }
0x30: {  	p0 =	sne.s32 s13, s6;
	[sflag:s9] =	ssyncadd.s32 $0xFFFFC000  }
.Ltmp1:
0x31: {  	[bflag:$0x0] =	sbarrier.arrive $0xFFFF;
	(pc) =	sbr.rel @p0 .LBB2_1-.Ltmp1, $4  }
0x32: {  	[hbm:s12], [sflag:s10] =	dma.local [spmem:s11], $0x2780  }
0x33: {  	_ =	swait.ge [sflag:s9], $0x2780  }
0x34: {  	[sflag:s9] =	ssyncset.done $0x0  }
0x35: {  	[sflag:s9] =	ssyncadd.s32 $0xFFFFD880  }
0x36: {  	_ =	sfence.sel $0x180000  }
0x37: {  	[bflag:$0x0] =	sbarrier.arrive $0xFFFF  }
0x38: {  	p0 =	sne.s32 s1, $0x0;
	_ =	strace $0x90000047  }
0x39: {  	s0 =	sadd.s32 @!p0 $0x100000, s0;
	[bflag:$0x2] =	sbarrier.arrive $0xFFFF  }
0x3a: {  	[sflag:s0] =	ssyncadd.tile.s32 @!p0 $0x1;
	_ =	shalt  }
.Lfunc_end2:
_tile_overlayer_lowered:
.L_overlay_start_2:
0x3b: {  	(tag) =	ssettag $0x2  }
0x3c: {  	s0 =	rddreg [dreg:$0x0];
	s2 =	stileid.u32  }
0x3d: {  	s1 =	rddreg [dreg:$0x1];
	p0 =	sne.s32 s2, $0x0  }
0x3e: {  	s3 =	rddreg [dreg:$0x2];
	[bflag:$0x3] =	sbarrier.arrive $0xFFFF;
	s2 =	simm.s32 @!p0 $0x1C01  }
0x3f: {  	[timem:s3], [sflag:s2] =	dma.local @!p0 [hbm:s0], s1  }
0x40: {  	s0 =	simm.s32 @!p0 $0x1  }
0x41: {  	_ =	swait.ge @!p0 [sflag:s0], s1  }
0x42: {  	s1 =	ssub.s32 @!p0 $0x0, s1;
	[sflag:s0] =	ssyncset.done @!p0 $0x0  }
0x43: {  	[sflag:s0] =	ssyncadd.s32 @!p0 s1  }
0x44: {  	[bflag:$0x3] =	sbarrier.arrive $0xFFFF  }
0x45: {  	_ =	shalt  }

// kernel: kernel.13.cloned.1.call-start
scs
__scs_entry_jumppad:
0x0: {  	(pc) =	sbr.rel $0x88, $3  }
0x1: {  	(tag) =	ssettag $0x0;
	lr =	simm.s32 $0x1  }
0x2: {  	[smem:$0x3F8B] =	sst lr;
	_ =	strace $0xD0000000  }
0x3: {  	_ = 	snop  }
0x4: {  	_ = 	snop  }
0x5: {  	_ = 	snop  }
0x6: {  	_ = 	snop  }
0x7: {  	_ = 	snop  }
__scs_overlays_trampoline_lowered:
0x8: {  	[smem:$0x3F9A] =	sst s0  }
0x9: {  	[smem:$0x3F9B] =	sst s1  }
0xa: {  	[smem:$0x3F9C] =	sst s2  }
0xb: {  	[smem:$0x3F9D] =	sst s3  }
0xc: {  	[smem:$0x3F9E] =	sst s4  }
0xd: {  	[smem:$0x3F9F] =	sst s5  }
0xe: {  	[smem:$0x3FA0] =	sst s6  }
0xf: {  	[smem:$0x3FA1] =	sst s7  }
0x10: {  	[smem:$0x3FA2] =	sst s8  }
0x11: {  	[smem:$0x3FA3] =	sst s9;
	s0 =	simm.s32 @!p0 $0x0  }
0x12: {  	s1 =	sld [smem:$0x3F89];
	s0 =	simm.s32 @p0 $0x1  }
0x13: {  	[smem:$0x3FA4] =	sst s0;
	s0 =	simm.s32 @!p1 $0x0  }
0x14: {  	s2 =	sld [smem:$0x3F88];
	s0 =	simm.s32 @p1 $0x1  }
0x15: {  	[smem:$0x3FA5] =	sst s0;
	s0 =	simm.s32 @!p2 $0x0  }
0x16: {  	s3 =	sld [smem:$0x3FDB];
	s0 =	simm.s32 @p2 $0x1  }
0x17: {  	s4 =	simm.s32 $0x1BF5;
	[smem:$0x3FA7] =	sst s0  }
0x18: {  	s0 =	sld [smem:$0x3F8A];
	_ =	swait.ge [sflag:s4], $0x0  }
0x19: {  	s7 =	sld [smem:$0x3F8B]  }
0x1a: {  	s8 =	sadd.s32 $0xFFFFE003, lr  }
0x1b: {  	s9 =	sadd.s32 $0xFFFFFEF7, lr;
	s5 =	simm.s32 $0xFFFFFFFF;
	p2 =	slt.u32 s8, $0xFFFFF086  }
0x1c: {  	p1 =	slt.u32 s9, $0xF7A;
	s5 =	simm.s32 @!p2 $0x0  }
0x1d: {  	s5 =	simm.s32 @p1 $0x1;
	p0 =	seq.s32 s7, s2  }
0x1e: {  	s7 =	smul.u32 @!p0 $0xF7A, s2;
	p2 =	seq.s32 @!p0 s5, $0x0  }
0x1f: {  	s9 =	smul.u32 $0xF7A, s1;
	s8 =	simm.s32 @!p0 $0x1BF5;
	p2 =	por !p2, p0  }
0x20: {  	[sflag:s8] =	ssyncset.s32 @!p0 $0xFFFFF086;
	s6 =	sadd.s32 @!p0 s3, s7;
	s7 =	simm.s32 @!p0 $0x108  }
0x21: {  	s3 =	sadd.s32 s3, s9;
	s6 =	sadd.s32 @!p0 $0x88, s6;
	s7 =	simm.s32 @p2 $0x1082  }
0x22: {  	[simem:s7], [sflag:s8] =	dma.local @!p0 [hbm:s6], $0xF7A  }
0x23: {  	s9 =	sor.u32 $0xD0000000, s2;
	s6 =	simm.s32 $0x108;
	_ =	swait.ge @!p0 [sflag:s8], $0x0  }
0x24: {  	s3 =	sadd.s32 $0x88, s3;
	s6 =	simm.s32 @!p1 $0x1082;
	[sflag:s4] =	ssyncset.s32 $0xFFFFF086  }
0x25: {  	[simem:s6], [sflag:s4] =	dma.local [hbm:s3], $0xF7A  }
0x26: {  	[smem:$0x3F8B] =	sst s1;
	(tag) =	ssettag s2;
	_ =	strace s9  }
0x27: {  	s1 =	sld [smem:$0x3F9B]  }
0x28: {  	s2 =	sld [smem:$0x3F9C]  }
0x29: {  	s4 =	sld [smem:$0x3F9E]  }
0x2a: {  	p0 =	seq.s32 s5, $0x0;
	s5 =	sld [smem:$0x3F9F]  }
0x2b: {  	s6 =	sld [smem:$0x3FA0]  }
0x2c: {  	s7 =	sld [smem:$0x3FA1]  }
0x2d: {  	s3 =	simm.s32 $0x108;
	s8 =	sld [smem:$0x3FA2]  }
0x2e: {  	s3 =	simm.s32 @!p0 $0x1082;
	s9 =	sld [smem:$0x3FA3]  }
0x2f: {  	lr =	sadd.s32 s0, s3;
	s0 =	sld [smem:$0x3F9A]  }
0x30: {  	s3 =	sld [smem:$0x3F9D]  }
0x31: {  	[smem:$0x3FA6] =	sst s10  }
0x32: {  	s10 =	sld [smem:$0x3FA4];
	_ =	sdelay $0x3  }
0x33: {  	p0 =	seq.s32 s10, $0x1;
	s10 =	sld [smem:$0x3FA6];
	_ =	sdelay $0x3  }
0x34: {  	[smem:$0x3FA6] =	sst s10  }
0x35: {  	s10 =	sld [smem:$0x3FA5];
	_ =	sdelay $0x3  }
0x36: {  	p1 =	seq.s32 s10, $0x1;
	s10 =	sld [smem:$0x3FA6];
	_ =	sdelay $0x3  }
0x37: {  	[smem:$0x3FA6] =	sst s10  }
0x38: {  	s10 =	sld [smem:$0x3FA7]  }
0x39: {  	_ = 	snop;
	(pc) =	sbr.ind lr, $3  }
0x3a: {  	_ = 	snop  }
0x3b: {  	_ = 	snop  }
0x3c: {  	p2 =	seq.s32 s10, $0x1;
	s10 =	sld [smem:$0x3FA6]  }
0x3d: {  	_ =	shalt  }
0x3e: {  	_ =	shalt  }
0x3f: {  	_ =	shalt  }
0x40: {  	_ =	shalt  }
0x41: {  	_ =	shalt  }
0x42: {  	_ =	shalt  }
0x43: {  	_ =	shalt  }
0x44: {  	_ =	shalt  }
0x45: {  	_ =	shalt  }
0x46: {  	_ =	shalt  }
0x47: {  	_ =	shalt  }
0x48: {  	_ =	shalt  }
0x49: {  	_ =	shalt  }
0x4a: {  	_ =	shalt  }
0x4b: {  	_ =	shalt  }
0x4c: {  	_ =	shalt  }
0x4d: {  	_ =	shalt  }
0x4e: {  	_ =	shalt  }
0x4f: {  	_ =	shalt  }
0x50: {  	_ =	shalt  }
0x51: {  	_ =	shalt  }
0x52: {  	_ =	shalt  }
0x53: {  	_ =	shalt  }
0x54: {  	_ =	shalt  }
0x55: {  	_ =	shalt  }
0x56: {  	_ =	shalt  }
0x57: {  	_ =	shalt  }
0x58: {  	_ =	shalt  }
0x59: {  	_ =	shalt  }
0x5a: {  	_ =	shalt  }
0x5b: {  	_ =	shalt  }
0x5c: {  	_ =	shalt  }
0x5d: {  	_ =	shalt  }
0x5e: {  	_ =	shalt  }
0x5f: {  	_ =	shalt  }
0x60: {  	_ =	shalt  }
0x61: {  	_ =	shalt  }
0x62: {  	_ =	shalt  }
0x63: {  	_ =	shalt  }
0x64: {  	_ =	shalt  }
0x65: {  	_ =	shalt  }
0x66: {  	_ =	shalt  }
0x67: {  	_ =	shalt  }
0x68: {  	_ =	shalt  }
0x69: {  	_ =	shalt  }
0x6a: {  	_ =	shalt  }
0x6b: {  	_ =	shalt  }
0x6c: {  	_ =	shalt  }
0x6d: {  	_ =	shalt  }
0x6e: {  	_ =	shalt  }
0x6f: {  	_ =	shalt  }
0x70: {  	_ =	shalt  }
0x71: {  	_ =	shalt  }
0x72: {  	_ =	shalt  }
0x73: {  	_ =	shalt  }
0x74: {  	_ =	shalt  }
0x75: {  	_ =	shalt  }
0x76: {  	_ =	shalt  }
0x77: {  	_ =	shalt  }
0x78: {  	_ =	shalt  }
0x79: {  	_ =	shalt  }
0x7a: {  	_ =	shalt  }
0x7b: {  	_ =	shalt  }
0x7c: {  	_ =	shalt  }
0x7d: {  	_ =	shalt  }
0x7e: {  	_ =	shalt  }
0x7f: {  	_ =	shalt  }
0x80: {  	_ =	shalt  }
0x81: {  	_ =	shalt  }
0x82: {  	_ =	shalt  }
0x83: {  	_ =	shalt  }
0x84: {  	_ =	shalt  }
0x85: {  	_ =	shalt  }
0x86: {  	_ =	shalt  }
0x87: {  	_ =	shalt  }
.Lfunc_end0:
.L_simem_size_0:
called_computation.1_lowered:
.L_overlay_start_0:
0x88: {  	s2 =	sld [smem:$0x3FD9]  }
0x89: {  	s3 =	sld [smem:$0x3FFE];
	_ =	sdelay $0x1  }
0x8a: {  	s1 =	srdreg.scid  }
0x8b: {  	s0 =	sand.u32 $0x1, s1  }
0x8c: {  	s14 =	sshll.u32 s0, $0xA;
	s2 =	sadd.s32 s3, s2  }
0x8d: {  	s2 =	sadd.s32 s2, s14  }
0x8e: {  	[smem:$0x3FB2] =	sst s2  }
0x8f: {  	_ = 	snop  }
0x90: {  	s2 =	sld [smem:$0x3FD0];
	_ =	sdelay $0x2  }
0x91: {  	s15 =	simm.s32 $0xA;
	s4 =	simm.s32 $0x10  }
0x92: {  	[smem:s4], [sflag:s15] =	dma.local [hbm:s2], $0x1  }
0x93: {  	_ =	swait.eq [sflag:s15], $0x1  }
0x94: {  	[sflag:s15] =	ssyncset.done $0x0  }
0x95: {  	s16 =	sld [smem:$0x10];
	[sflag:s15] =	ssyncadd.s32 $0xFFFFFFFF  }
0x96: {  	s17 =	sld [smem:$0x11];
	(tm) =	ssettm $0x1  }
0x97: {  	s18 =	sld [smem:$0x3FFB];
	_ =	sdelay $0x3  }
0x98: {  	_ =	strace s18  }
0x99: {  	s4 =	sld [smem:$0x3FFC];
	_ =	sdelay $0x3  }
0x9a: {  	_ =	strace s4  }
0x9b: {  	s4 =	sld [smem:$0x3FFD];
	_ =	sdelay $0x3  }
0x9c: {  	_ =	strace s4  }
0x9d: {  	_ =	strace $0x8FFFFFFF  }
0x9e: {  	s19 =	sld [smem:$0x3FDB];
	_ =	sdelay $0x1  }
0x9f: {  	s5 =	simm.s32 $_scs_section_size  }
0xa0: {  	s6 =	simm.s32 $_size__tile_overlayer_lowered;
	s7 =	simm.s32 $_tile_overlayer_lowered  }
0xa1: {  	s22 =	simm.s32 $0x1BFF;
	s21 =	sshll.u32 s7, $0x1;
	s4 =	sadd.s32 s5, s19  }
0xa2: {  	s8 =	simm.s32 $0x0;
	s20 =	sshll.u32 s6, $0x1;
	s6 =	sadd.s32 s21, s4  }
0xa3: {  	[timem:s8], [sflag:s22] =	dma.local [hbm:s6], s20  }
0xa4: {  	_ =	swait.ge [sflag:s22], s20  }
0xa5: {  	s5 =	ssub.s32 $0x0, s20;
	[sflag:s22] =	ssyncset.done $0x0  }
0xa6: {  	[sflag:s22] =	ssyncadd.s32 s5;
	_ =	sdelay $0x1  }
0xa7: {  	s23 =	simm.s32 $0x1B8B  }
0xa8: {  	_ =	swait.ge [sflag:s23], $0x1  }
0xa9: {  	[sflag:s23] =	ssyncset.done $0x0  }
0xaa: {  	s25 =	simm.s32 $0x1B8E;
	s24 =	sld [smem:$0x3FFE];
	[sflag:s23] =	ssyncadd.s32 $0xFFFFFFFF  }
0xab: {  	s26 =	simm.s32 $execute0_lowered;
	[smem:$0x3FD2] =	sst s25  }
0xac: {  	s6 =	sshll.u32 s26, $0x1;
	_ =	strace $0x80000049;
	[dreg:$0x1] =	wrdreg $0xFFFFFFFF  }
0xad: {  	s28 =	simm.s32 $_size_execute0_lowered;
	s4 =	sadd.s32 s4, s6;
	[dreg:$0x0] =	wrdreg $0x0  }
0xae: {  	s6 =	sshll.u32 s28, $0x1;
	[dreg:$0x2] =	wrdreg s4  }
0xaf: {  	[dreg:$0x3] =	wrdreg s6  }
0xb0: {  	[dreg:$0x4] =	wrdreg $0xC0  }
0xb1: {  	_ =	task [dreg:s8], $0x5FFFF  }
0xb2: {  	[dreg:$0x1] =	wrdreg $0xFFFFFFFF  }
0xb3: {  	[dreg:$0x0] =	wrdreg $0x60  }
0xb4: {  	[dreg:$0x2] =	wrdreg s24  }
0xb5: {  	[dreg:$0x3] =	wrdreg s17  }
0xb6: {  	[dreg:$0x4] =	wrdreg s16  }
0xb7: {  	[dreg:$0x5] =	wrdreg $0x41000  }
0xb8: {  	[dreg:$0x6] =	wrdreg $0x9  }
0xb9: {  	_ =	task.clear_ibuf [dreg:s8], $0x7FFFF;
	_ =	strace $0x90000049  }
0xba: {  	s29 =	simm.s32 $0x9;
	_ =	strace $0x8000004B  }
0xbb: {  	_ =	swait.ge [sflag:s29], $0x1  }
0xbc: {  	[sflag:s29] =	ssyncadd.s32 $0xFFFFFFFF  }
0xbd: {  	_ =	strace $0x9000004B  }
0xbe: {  	_ =	sfence  }
0xbf: {  	s30 =	sld [smem:$0x0];
	_ =	sdelay $0x2  }
0xc0: {  	s31 =	sshll.u32 s1, $0xD;
	s1 =	sshrl.u32 s1, $0x2  }
0xc1: {  	s3 =	sand.u32 $0x4000, s31;
	s1 =	sadd.s32 s1, s30  }
0xc2: {  	s0 =	sor.u32 s3, s0;
	s1 =	sshll.u32 s1, $0x11  }
0xc3: {  	s0 =	sor.u32 s1, s0  }
0xc4: {  	s0 =	sadd.s32 $0x8F2B, s0  }
0xc5: {  	[sflag:s0] =	ssyncadd.remote.s32 $0x1  }
0xc6: {  	_ =	sfence.sel $0xFFFF  }
0xc7: {  	[dreg:$0x0] =	wrdreg $0xFFFFFFFF;
	(pc) =	sbr.abs _section_cstart, $3  }
0xc8: {  	[dreg:$0x1] =	wrdreg $0xFFFFFFFF  }
0xc9: {  	_ =	task.clear_ibuf [dreg:s8], $0x2FFFF;
	_ =	strace $0x9FFFFFFF  }
0xca: {  	(tm) =	ssettm $0x7FFFFFFF  }
0xcb: {  	_ =	shalt  }
tec
execute0_lowered:
.L_overlay_start_1:
0x0: {  	(tag) =	ssettag $0x1  }
0x1: {  	s5 =	rddreg [dreg:$0x0]  }
0x2: {  	s8 =	rddreg [dreg:$0x1]  }
0x3: {  	s9 =	rddreg [dreg:$0x2]  }
0x4: {  	s2 =	rddreg [dreg:$0x3]  }
0x5: {  	s0 =	rddreg [dreg:$0x4];
	s3 =	simm.s32 $0x0;
	s1 =	stileid.u32  }
0x6: {  	s4 =	srdreg.scid;
	s14 =	simm.s32 $0x1;
	s15 =	smul.u32 $0x2780, s1  }
0x7: {  	[smem:$0x7FF] =	sst s3;
	s6 =	sand.u32 $0x1, s4;
	s7 =	smul.u32 $0x4F000, s1  }
0x8: {  	s4 =	sadd.s32 $0x2D000, s5;
	s28 =	sshll.u32 s1, $0x6;
	s30 =	smul.u32 $0x500, s1  }
0x9: {  	_ =	strace $0x8000004A;
	s10 =	smul.u32 $0x27800, s6;
	s11 =	ssub.s32 $0x2, s6  }
0xa: {  	s29 =	smul.u32 $0x5000, s6;
	s6 =	sor.u32 $0x1C02, s28;
	s12 =	sadd.s32 s15, s5  }
0xb: {  	s13 =	sshrl.u32 s11, $0x1;
	s7 =	sshrl.u32 s7, $0x2;
	s10 =	sadd.s32 s10, s5  }
0xc: {  	s11 =	ssub.s32 s11, s13;
	s26 =	sadd.s32 s7, s2;
	s5 =	sadd.s32 $0x5800, s12  }
0xd: {  	s9 =	sadd.s32 s29, s9;
	s31 =	sadd.s32 s29, s8;
	s12 =	simm.s32 $0x80  }
0xe: {  	s13 =	simm.s32 $0x100;
	s16 =	sadd.s32 $0x54800, s10;
	s7 =	smax.u32 s11, $0x1  }
0xf: {  	s8 =	sadd.s32 s30, s9;
	s9 =	sadd.s32 s30, s31;
	s10 =	sshrl.u32 s26, $0x3  }
0x10: {  	s11 =	simm.s32 $0x2;
	s15 =	sadd.s32 s15, s16;
	s16 =	simm.s32 $0x0  }
.LBB2_1:
0x11: {  	[spmem:s10], [sflag:s6] =	dma.local [hbm:s5], $0x2780  }
0x12: {  	_ =	swait.ge [sflag:s11], $0x2780  }
0x13: {  	[sflag:s11] =	ssyncset.done $0x0  }
0x14: {  	[sflag:s11] =	ssyncadd.s32 $0xFFFFD880  }
0x15: {  	s17 =	sadd.s32 $0x0, s9;
	[bflag:$0x0] =	sbarrier.arrive $0xFFFF  }
0x16: {  	[tilespmem:s3], [sflag:$0x2] =	stream.linear.gather [hbm4b:s17+s3], $0x80, $0x38;
	[tilespmem:$0x17D00] =	vst v63  }
0x17: {  	_ =	swait.ge [sflag:s11], $0x80  }
0x18: {  	[sflag:s11] =	ssyncset.done $0x0  }
0x19: {  	s31 =	sadd.s32 $0x0, s8;
	[sflag:s11] =	ssyncadd.s32 $0xFFFFFF80  }
0x1a: {  	[tilespmem:s12], [sflag:$0x2] =	stream.linear.gather [hbm4b:s31+s3], $0x80, $0x38;
	[tilespmem:$0x17D00] =	vst v63  }
0x1b: {  	_ =	swait.ge [sflag:s11], $0x80  }
0x1c: {  	[sflag:s11] =	ssyncset.done $0x0  }
0x1d: {  	[sflag:s11] =	ssyncadd.s32 $0xFFFFFF80  }
0x1e: {  	[tilespmem:s13], [sflag:$0x1] =	stream.indirect.gather [hbm4b:s4+s12], $0x80, s3, s12, $0xb8;
	[tilespmem:$0x17D00] =	vst v63  }
0x1f: {  	_ =	swait.ge [sflag:s14], $0x4000  }
0x20: {  	[sflag:s14] =	ssyncset.done $0x0  }
0x21: {  	[sflag:s14] =	ssyncadd.s32 $0xFFFFC000  }
0x22: {  	[spmem:s2] =	stream.indirect.scatter.add.f32 [tilespmem:s13], [sflag:$0x2], $0x80, s12, s12, $0xb8;
	[tilespmem:$0x17D00] =	vst v63  }
0x23: {  	_ =	swait.ge [sflag:s11], $0x4000  }
0x24: {  	s18 =	simm.s32 $0x20;
	s17 =	simm.s32 $0x10;
	[sflag:s11] =	ssyncset.done $0x0  }
.LBB2_2:
0x25: {  	s19 =	sadd.s32 s17, s9  }
0x26: {  	[sflag:s11] =	ssyncadd.s32 $0xFFFFC000;
	s20 =	smov.u32 s18;
	s21 =	sadd.s32 $0x10, s18  }
0x27: {  	[tilespmem:s3], [sflag:$0x2] =	stream.linear.gather [hbm4b:s19+s3], $0x80, $0x38;
	[tilespmem:$0x17D00] =	vst v63  }
0x28: {  	p0 =	sne.s32 s18, $0x4F0;
	_ =	swait.ge [sflag:s11], $0x80  }
0x29: {  	[sflag:s11] =	ssyncset.done $0x0  }
0x2a: {  	s18 =	sadd.s32 s17, s8;
	s17 =	smov.u32 s20;
	[sflag:s11] =	ssyncadd.s32 $0xFFFFFF80  }
0x2b: {  	[tilespmem:s12], [sflag:$0x2] =	stream.linear.gather [hbm4b:s18+s3], $0x80, $0x38;
	[tilespmem:$0x17D00] =	vst v63  }
0x2c: {  	_ =	swait.ge [sflag:s11], $0x80  }
0x2d: {  	[sflag:s11] =	ssyncset.done $0x0  }
0x2e: {  	[sflag:s11] =	ssyncadd.s32 $0xFFFFFF80  }
0x2f: {  	[tilespmem:s13], [sflag:$0x1] =	stream.indirect.gather [hbm4b:s4+s12], $0x80, s3, s12, $0xb8;
	[tilespmem:$0x17D00] =	vst v63  }
0x30: {  	_ =	swait.ge [sflag:s14], $0x4000  }
.Ltmp0:
0x31: {  	[sflag:s14] =	ssyncset.done $0x0;
	(pc) =	sbr.rel @p0 .LBB2_2-.Ltmp0, $4  }
0x32: {  	[sflag:s14] =	ssyncadd.s32 $0xFFFFC000  }
0x33: {  	[spmem:s2] =	stream.indirect.scatter.add.f32 [tilespmem:s13], [sflag:$0x2], $0x80, s12, s12, $0xb8;
	[tilespmem:$0x17D00] =	vst v63  }
0x34: {  	_ =	swait.ge [sflag:s11], $0x4000  }
0x35: {  	s18 =	smov.u32 s21;
	[sflag:s11] =	ssyncset.done $0x0  }
0x36: {  	s18 =	sadd.s32 s17, s9;
	[sflag:s11] =	ssyncadd.s32 $0xFFFFC000  }
0x37: {  	[tilespmem:s3], [sflag:$0x2] =	stream.linear.gather [hbm4b:s18+s3], $0x80, $0x38;
	[tilespmem:$0x17D00] =	vst v63  }
0x38: {  	_ =	swait.ge [sflag:s11], $0x80  }
0x39: {  	[sflag:s11] =	ssyncset.done $0x0  }
0x3a: {  	s31 =	sadd.s32 s17, s8;
	[sflag:s11] =	ssyncadd.s32 $0xFFFFFF80  }
0x3b: {  	[tilespmem:s12], [sflag:$0x2] =	stream.linear.gather [hbm4b:s31+s3], $0x80, $0x38;
	[tilespmem:$0x17D00] =	vst v63  }
0x3c: {  	_ =	swait.ge [sflag:s11], $0x80  }
0x3d: {  	[sflag:s11] =	ssyncset.done $0x0  }
0x3e: {  	[sflag:s11] =	ssyncadd.s32 $0xFFFFFF80  }
0x3f: {  	[tilespmem:s13], [sflag:$0x1] =	stream.indirect.gather [hbm4b:s4+s12], $0x80, s3, s12, $0xb8;
	[tilespmem:$0x17D00] =	vst v63  }
0x40: {  	_ =	swait.ge [sflag:s14], $0x4000  }
0x41: {  	[sflag:s14] =	ssyncset.done $0x0  }
0x42: {  	[sflag:s14] =	ssyncadd.s32 $0xFFFFC000  }
0x43: {  	[spmem:s2] =	stream.indirect.scatter.add.f32 [tilespmem:s13], [sflag:$0x2], $0x80, s12, s12, $0xb8;
	[tilespmem:$0x17D00] =	vst v63  }
0x44: {  	_ =	swait.ge [sflag:s11], $0x4000  }
0x45: {  	s16 =	sadd.s32 $0x1, s16;
	[sflag:s11] =	ssyncset.done $0x0  }
0x46: {  	p0 =	sne.s32 s16, s7;
	[sflag:s11] =	ssyncadd.s32 $0xFFFFC000  }
.Ltmp1:
0x47: {  	[bflag:$0x0] =	sbarrier.arrive $0xFFFF;
	(pc) =	sbr.rel @p0 .LBB2_1-.Ltmp1, $4  }
0x48: {  	[hbm:s15], [sflag:s6] =	dma.local [spmem:s10], $0x2780  }
0x49: {  	_ =	swait.ge [sflag:s11], $0x2780  }
0x4a: {  	[sflag:s11] =	ssyncset.done $0x0  }
0x4b: {  	[sflag:s11] =	ssyncadd.s32 $0xFFFFD880  }
0x4c: {  	_ =	sfence.sel $0x180000  }
0x4d: {  	[bflag:$0x0] =	sbarrier.arrive $0xFFFF  }
0x4e: {  	p0 =	sne.s32 s1, $0x0;
	_ =	strace $0x9000004A  }
0x4f: {  	s0 =	sadd.s32 @!p0 $0x100000, s0;
	[bflag:$0x2] =	sbarrier.arrive $0xFFFF  }
0x50: {  	[sflag:s0] =	ssyncadd.tile.s32 @!p0 $0x1;
	_ =	shalt  }
.Lfunc_end2:
_tile_overlayer_lowered:
.L_overlay_start_2:
0x51: {  	(tag) =	ssettag $0x2  }
0x52: {  	s0 =	rddreg [dreg:$0x0];
	s2 =	stileid.u32  }
0x53: {  	s1 =	rddreg [dreg:$0x1];
	p0 =	sne.s32 s2, $0x0  }
0x54: {  	s3 =	rddreg [dreg:$0x2];
	[bflag:$0x3] =	sbarrier.arrive $0xFFFF;
	s2 =	simm.s32 @!p0 $0x1C02  }
0x55: {  	[timem:s3], [sflag:s2] =	dma.local @!p0 [hbm:s0], s1  }
0x56: {  	s0 =	simm.s32 @!p0 $0x2  }
0x57: {  	_ =	swait.ge @!p0 [sflag:s0], s1  }
0x58: {  	s1 =	ssub.s32 @!p0 $0x0, s1;
	[sflag:s0] =	ssyncset.done @!p0 $0x0  }
0x59: {  	[sflag:s0] =	ssyncadd.s32 @!p0 s1  }
0x5a: {  	[bflag:$0x3] =	sbarrier.arrive $0xFFFF  }
0x5b: {  	_ =	shalt  }

// kernel: kernel.16.cloned.1.call-start
scs
__scs_entry_jumppad:
0x0: {  	(pc) =	sbr.rel $0x88, $3  }
0x1: {  	(tag) =	ssettag $0x0;
	lr =	simm.s32 $0x1  }
0x2: {  	[smem:$0x3F8B] =	sst lr;
	_ =	strace $0xD0000000  }
0x3: {  	_ = 	snop  }
0x4: {  	_ = 	snop  }
0x5: {  	_ = 	snop  }
0x6: {  	_ = 	snop  }
0x7: {  	_ = 	snop  }
__scs_overlays_trampoline_lowered:
0x8: {  	[smem:$0x3F9A] =	sst s0  }
0x9: {  	[smem:$0x3F9B] =	sst s1  }
0xa: {  	[smem:$0x3F9C] =	sst s2  }
0xb: {  	[smem:$0x3F9D] =	sst s3  }
0xc: {  	[smem:$0x3F9E] =	sst s4  }
0xd: {  	[smem:$0x3F9F] =	sst s5  }
0xe: {  	[smem:$0x3FA0] =	sst s6  }
0xf: {  	[smem:$0x3FA1] =	sst s7  }
0x10: {  	[smem:$0x3FA2] =	sst s8  }
0x11: {  	[smem:$0x3FA3] =	sst s9;
	s0 =	simm.s32 @!p0 $0x0  }
0x12: {  	s1 =	sld [smem:$0x3F89];
	s0 =	simm.s32 @p0 $0x1  }
0x13: {  	[smem:$0x3FA4] =	sst s0;
	s0 =	simm.s32 @!p1 $0x0  }
0x14: {  	s2 =	sld [smem:$0x3F88];
	s0 =	simm.s32 @p1 $0x1  }
0x15: {  	[smem:$0x3FA5] =	sst s0;
	s0 =	simm.s32 @!p2 $0x0  }
0x16: {  	s3 =	sld [smem:$0x3FDB];
	s0 =	simm.s32 @p2 $0x1  }
0x17: {  	s4 =	simm.s32 $0x1BF5;
	[smem:$0x3FA7] =	sst s0  }
0x18: {  	s0 =	sld [smem:$0x3F8A];
	_ =	swait.ge [sflag:s4], $0x0  }
0x19: {  	s7 =	sld [smem:$0x3F8B]  }
0x1a: {  	s8 =	sadd.s32 $0xFFFFE003, lr  }
0x1b: {  	s9 =	sadd.s32 $0xFFFFFEF7, lr;
	s5 =	simm.s32 $0xFFFFFFFF;
	p2 =	slt.u32 s8, $0xFFFFF086  }
0x1c: {  	p1 =	slt.u32 s9, $0xF7A;
	s5 =	simm.s32 @!p2 $0x0  }
0x1d: {  	s5 =	simm.s32 @p1 $0x1;
	p0 =	seq.s32 s7, s2  }
0x1e: {  	s7 =	smul.u32 @!p0 $0xF7A, s2;
	p2 =	seq.s32 @!p0 s5, $0x0  }
0x1f: {  	s9 =	smul.u32 $0xF7A, s1;
	s8 =	simm.s32 @!p0 $0x1BF5;
	p2 =	por !p2, p0  }
0x20: {  	[sflag:s8] =	ssyncset.s32 @!p0 $0xFFFFF086;
	s6 =	sadd.s32 @!p0 s3, s7;
	s7 =	simm.s32 @!p0 $0x108  }
0x21: {  	s3 =	sadd.s32 s3, s9;
	s6 =	sadd.s32 @!p0 $0x88, s6;
	s7 =	simm.s32 @p2 $0x1082  }
0x22: {  	[simem:s7], [sflag:s8] =	dma.local @!p0 [hbm:s6], $0xF7A  }
0x23: {  	s9 =	sor.u32 $0xD0000000, s2;
	s6 =	simm.s32 $0x108;
	_ =	swait.ge @!p0 [sflag:s8], $0x0  }
0x24: {  	s3 =	sadd.s32 $0x88, s3;
	s6 =	simm.s32 @!p1 $0x1082;
	[sflag:s4] =	ssyncset.s32 $0xFFFFF086  }
0x25: {  	[simem:s6], [sflag:s4] =	dma.local [hbm:s3], $0xF7A  }
0x26: {  	[smem:$0x3F8B] =	sst s1;
	(tag) =	ssettag s2;
	_ =	strace s9  }
0x27: {  	s1 =	sld [smem:$0x3F9B]  }
0x28: {  	s2 =	sld [smem:$0x3F9C]  }
0x29: {  	s4 =	sld [smem:$0x3F9E]  }
0x2a: {  	p0 =	seq.s32 s5, $0x0;
	s5 =	sld [smem:$0x3F9F]  }
0x2b: {  	s6 =	sld [smem:$0x3FA0]  }
0x2c: {  	s7 =	sld [smem:$0x3FA1]  }
0x2d: {  	s3 =	simm.s32 $0x108;
	s8 =	sld [smem:$0x3FA2]  }
0x2e: {  	s3 =	simm.s32 @!p0 $0x1082;
	s9 =	sld [smem:$0x3FA3]  }
0x2f: {  	lr =	sadd.s32 s0, s3;
	s0 =	sld [smem:$0x3F9A]  }
0x30: {  	s3 =	sld [smem:$0x3F9D]  }
0x31: {  	[smem:$0x3FA6] =	sst s10  }
0x32: {  	s10 =	sld [smem:$0x3FA4];
	_ =	sdelay $0x3  }
0x33: {  	p0 =	seq.s32 s10, $0x1;
	s10 =	sld [smem:$0x3FA6];
	_ =	sdelay $0x3  }
0x34: {  	[smem:$0x3FA6] =	sst s10  }
0x35: {  	s10 =	sld [smem:$0x3FA5];
	_ =	sdelay $0x3  }
0x36: {  	p1 =	seq.s32 s10, $0x1;
	s10 =	sld [smem:$0x3FA6];
	_ =	sdelay $0x3  }
0x37: {  	[smem:$0x3FA6] =	sst s10  }
0x38: {  	s10 =	sld [smem:$0x3FA7]  }
0x39: {  	_ = 	snop;
	(pc) =	sbr.ind lr, $3  }
0x3a: {  	_ = 	snop  }
0x3b: {  	_ = 	snop  }
0x3c: {  	p2 =	seq.s32 s10, $0x1;
	s10 =	sld [smem:$0x3FA6]  }
0x3d: {  	_ =	shalt  }
0x3e: {  	_ =	shalt  }
0x3f: {  	_ =	shalt  }
0x40: {  	_ =	shalt  }
0x41: {  	_ =	shalt  }
0x42: {  	_ =	shalt  }
0x43: {  	_ =	shalt  }
0x44: {  	_ =	shalt  }
0x45: {  	_ =	shalt  }
0x46: {  	_ =	shalt  }
0x47: {  	_ =	shalt  }
0x48: {  	_ =	shalt  }
0x49: {  	_ =	shalt  }
0x4a: {  	_ =	shalt  }
0x4b: {  	_ =	shalt  }
0x4c: {  	_ =	shalt  }
0x4d: {  	_ =	shalt  }
0x4e: {  	_ =	shalt  }
0x4f: {  	_ =	shalt  }
0x50: {  	_ =	shalt  }
0x51: {  	_ =	shalt  }
0x52: {  	_ =	shalt  }
0x53: {  	_ =	shalt  }
0x54: {  	_ =	shalt  }
0x55: {  	_ =	shalt  }
0x56: {  	_ =	shalt  }
0x57: {  	_ =	shalt  }
0x58: {  	_ =	shalt  }
0x59: {  	_ =	shalt  }
0x5a: {  	_ =	shalt  }
0x5b: {  	_ =	shalt  }
0x5c: {  	_ =	shalt  }
0x5d: {  	_ =	shalt  }
0x5e: {  	_ =	shalt  }
0x5f: {  	_ =	shalt  }
0x60: {  	_ =	shalt  }
0x61: {  	_ =	shalt  }
0x62: {  	_ =	shalt  }
0x63: {  	_ =	shalt  }
0x64: {  	_ =	shalt  }
0x65: {  	_ =	shalt  }
0x66: {  	_ =	shalt  }
0x67: {  	_ =	shalt  }
0x68: {  	_ =	shalt  }
0x69: {  	_ =	shalt  }
0x6a: {  	_ =	shalt  }
0x6b: {  	_ =	shalt  }
0x6c: {  	_ =	shalt  }
0x6d: {  	_ =	shalt  }
0x6e: {  	_ =	shalt  }
0x6f: {  	_ =	shalt  }
0x70: {  	_ =	shalt  }
0x71: {  	_ =	shalt  }
0x72: {  	_ =	shalt  }
0x73: {  	_ =	shalt  }
0x74: {  	_ =	shalt  }
0x75: {  	_ =	shalt  }
0x76: {  	_ =	shalt  }
0x77: {  	_ =	shalt  }
0x78: {  	_ =	shalt  }
0x79: {  	_ =	shalt  }
0x7a: {  	_ =	shalt  }
0x7b: {  	_ =	shalt  }
0x7c: {  	_ =	shalt  }
0x7d: {  	_ =	shalt  }
0x7e: {  	_ =	shalt  }
0x7f: {  	_ =	shalt  }
0x80: {  	_ =	shalt  }
0x81: {  	_ =	shalt  }
0x82: {  	_ =	shalt  }
0x83: {  	_ =	shalt  }
0x84: {  	_ =	shalt  }
0x85: {  	_ =	shalt  }
0x86: {  	_ =	shalt  }
0x87: {  	_ =	shalt  }
.Lfunc_end0:
.L_simem_size_0:
called_computation.2_lowered:
.L_overlay_start_0:
0x88: {  	s2 =	sld [smem:$0x3FD9]  }
0x89: {  	s3 =	sld [smem:$0x3FFE];
	_ =	sdelay $0x1  }
0x8a: {  	s1 =	srdreg.scid  }
0x8b: {  	s0 =	sand.u32 $0x1, s1  }
0x8c: {  	s14 =	sshll.u32 s0, $0xA;
	s2 =	sadd.s32 s3, s2  }
0x8d: {  	s2 =	sadd.s32 s2, s14  }
0x8e: {  	[smem:$0x3FB2] =	sst s2  }
0x8f: {  	_ = 	snop  }
0x90: {  	s2 =	sld [smem:$0x3FD0];
	_ =	sdelay $0x2  }
0x91: {  	s15 =	simm.s32 $0xA;
	s4 =	simm.s32 $0x10  }
0x92: {  	[smem:s4], [sflag:s15] =	dma.local [hbm:s2], $0x1  }
0x93: {  	_ =	swait.eq [sflag:s15], $0x1  }
0x94: {  	[sflag:s15] =	ssyncset.done $0x0  }
0x95: {  	s16 =	sld [smem:$0x10];
	[sflag:s15] =	ssyncadd.s32 $0xFFFFFFFF  }
0x96: {  	s17 =	sld [smem:$0x11];
	(tm) =	ssettm $0x1  }
0x97: {  	s18 =	sld [smem:$0x3FFB];
	_ =	sdelay $0x3  }
0x98: {  	_ =	strace s18  }
0x99: {  	s4 =	sld [smem:$0x3FFC];
	_ =	sdelay $0x3  }
0x9a: {  	_ =	strace s4  }
0x9b: {  	s4 =	sld [smem:$0x3FFD];
	_ =	sdelay $0x3  }
0x9c: {  	_ =	strace s4  }
0x9d: {  	_ =	strace $0x8FFFFFFF  }
0x9e: {  	s19 =	sld [smem:$0x3FDB];
	_ =	sdelay $0x1  }
0x9f: {  	s5 =	simm.s32 $_scs_section_size  }
0xa0: {  	s6 =	simm.s32 $_size__tile_overlayer_lowered;
	s7 =	simm.s32 $_tile_overlayer_lowered  }
0xa1: {  	s22 =	simm.s32 $0x1BFF;
	s21 =	sshll.u32 s7, $0x1;
	s4 =	sadd.s32 s5, s19  }
0xa2: {  	s8 =	simm.s32 $0x0;
	s20 =	sshll.u32 s6, $0x1;
	s6 =	sadd.s32 s21, s4  }
0xa3: {  	[timem:s8], [sflag:s22] =	dma.local [hbm:s6], s20  }
0xa4: {  	_ =	swait.ge [sflag:s22], s20  }
0xa5: {  	s5 =	ssub.s32 $0x0, s20;
	[sflag:s22] =	ssyncset.done $0x0  }
0xa6: {  	[sflag:s22] =	ssyncadd.s32 s5;
	_ =	sdelay $0x1  }
0xa7: {  	s23 =	simm.s32 $0x1B8B  }
0xa8: {  	_ =	swait.ge [sflag:s23], $0x1  }
0xa9: {  	[sflag:s23] =	ssyncset.done $0x0  }
0xaa: {  	s25 =	simm.s32 $0x1B8E;
	s24 =	sld [smem:$0x3FFE];
	[sflag:s23] =	ssyncadd.s32 $0xFFFFFFFF  }
0xab: {  	s26 =	simm.s32 $execute0_lowered;
	[smem:$0x3FD2] =	sst s25  }
0xac: {  	s6 =	sshll.u32 s26, $0x1;
	_ =	strace $0x8000004C;
	[dreg:$0x1] =	wrdreg $0xFFFFFFFF  }
0xad: {  	s28 =	simm.s32 $_size_execute0_lowered;
	s4 =	sadd.s32 s4, s6;
	[dreg:$0x0] =	wrdreg $0x0  }
0xae: {  	s6 =	sshll.u32 s28, $0x1;
	[dreg:$0x2] =	wrdreg s4  }
0xaf: {  	[dreg:$0x3] =	wrdreg s6  }
0xb0: {  	[dreg:$0x4] =	wrdreg $0xC0  }
0xb1: {  	_ =	task [dreg:s8], $0x5FFFF  }
0xb2: {  	[dreg:$0x1] =	wrdreg $0xFFFFFFFF  }
0xb3: {  	[dreg:$0x0] =	wrdreg $0x60  }
0xb4: {  	[dreg:$0x2] =	wrdreg s24  }
0xb5: {  	[dreg:$0x3] =	wrdreg s17  }
0xb6: {  	[dreg:$0x4] =	wrdreg s16  }
0xb7: {  	[dreg:$0x5] =	wrdreg $0x41000  }
0xb8: {  	[dreg:$0x6] =	wrdreg $0x9  }
0xb9: {  	_ =	task.clear_ibuf [dreg:s8], $0x7FFFF;
	_ =	strace $0x9000004C  }
0xba: {  	s29 =	simm.s32 $0x9;
	_ =	strace $0x8000004E  }
0xbb: {  	_ =	swait.ge [sflag:s29], $0x1  }
0xbc: {  	[sflag:s29] =	ssyncadd.s32 $0xFFFFFFFF  }
0xbd: {  	_ =	strace $0x9000004E  }
0xbe: {  	_ =	sfence  }
0xbf: {  	s30 =	sld [smem:$0x0];
	_ =	sdelay $0x2  }
0xc0: {  	s31 =	sshll.u32 s1, $0xD;
	s1 =	sshrl.u32 s1, $0x2  }
0xc1: {  	s3 =	sand.u32 $0x4000, s31;
	s1 =	sadd.s32 s1, s30  }
0xc2: {  	s0 =	sor.u32 s3, s0;
	s1 =	sshll.u32 s1, $0x11  }
0xc3: {  	s0 =	sor.u32 s1, s0  }
0xc4: {  	s0 =	sadd.s32 $0x8F2B, s0  }
0xc5: {  	[sflag:s0] =	ssyncadd.remote.s32 $0x1  }
0xc6: {  	_ =	sfence.sel $0xFFFF  }
0xc7: {  	[dreg:$0x0] =	wrdreg $0xFFFFFFFF;
	(pc) =	sbr.abs _section_cstart, $3  }
0xc8: {  	[dreg:$0x1] =	wrdreg $0xFFFFFFFF  }
0xc9: {  	_ =	task.clear_ibuf [dreg:s8], $0x2FFFF;
	_ =	strace $0x9FFFFFFF  }
0xca: {  	(tm) =	ssettm $0x7FFFFFFF  }
0xcb: {  	_ =	shalt  }
tec
execute0_lowered:
.L_overlay_start_1:
0x0: {  	(tag) =	ssettag $0x1  }
0x1: {  	s5 =	rddreg [dreg:$0x0]  }
0x2: {  	s8 =	rddreg [dreg:$0x1]  }
0x3: {  	s9 =	rddreg [dreg:$0x2]  }
0x4: {  	s2 =	rddreg [dreg:$0x3]  }
0x5: {  	s0 =	rddreg [dreg:$0x4];
	s3 =	simm.s32 $0x0;
	s1 =	stileid.u32  }
0x6: {  	s4 =	srdreg.scid;
	s14 =	simm.s32 $0x1;
	s15 =	smul.u32 $0x2780, s1  }
0x7: {  	[smem:$0x7FF] =	sst s3;
	s6 =	sand.u32 $0x1, s4;
	s7 =	smul.u32 $0x4F000, s1  }
0x8: {  	s4 =	sadd.s32 $0x2D000, s5;
	s28 =	sshll.u32 s1, $0x6;
	s30 =	smul.u32 $0x500, s1  }
0x9: {  	_ =	strace $0x8000004D;
	s10 =	smul.u32 $0x27800, s6;
	s11 =	ssub.s32 $0x2, s6  }
0xa: {  	s29 =	smul.u32 $0x5000, s6;
	s6 =	sor.u32 $0x1C02, s28;
	s12 =	sadd.s32 s15, s5  }
0xb: {  	s13 =	sshrl.u32 s11, $0x1;
	s7 =	sshrl.u32 s7, $0x2;
	s10 =	sadd.s32 s10, s5  }
0xc: {  	s11 =	ssub.s32 s11, s13;
	s26 =	sadd.s32 s7, s2;
	s5 =	sadd.s32 $0x5800, s12  }
0xd: {  	s9 =	sadd.s32 s29, s9;
	s31 =	sadd.s32 s29, s8;
	s12 =	simm.s32 $0x80  }
0xe: {  	s13 =	simm.s32 $0x100;
	s16 =	sadd.s32 $0x54800, s10;
	s7 =	smax.u32 s11, $0x1  }
0xf: {  	s8 =	sadd.s32 s30, s9;
	s9 =	sadd.s32 s30, s31;
	s10 =	sshrl.u32 s26, $0x3  }
0x10: {  	s11 =	simm.s32 $0x2;
	s15 =	sadd.s32 s15, s16;
	s16 =	simm.s32 $0x0  }
.LBB2_1:
0x11: {  	[spmem:s10], [sflag:s6] =	dma.local [hbm:s5], $0x2780  }
0x12: {  	_ =	swait.ge [sflag:s11], $0x2780  }
0x13: {  	[sflag:s11] =	ssyncset.done $0x0  }
0x14: {  	[sflag:s11] =	ssyncadd.s32 $0xFFFFD880  }
0x15: {  	s17 =	sadd.s32 $0x0, s9;
	[bflag:$0x0] =	sbarrier.arrive $0xFFFF  }
0x16: {  	[tilespmem:s3], [sflag:$0x2] =	stream.linear.gather [hbm4b:s17+s3], $0x80, $0x38;
	[tilespmem:$0x17D00] =	vst v63  }
0x17: {  	_ =	swait.ge [sflag:s11], $0x80  }
0x18: {  	[sflag:s11] =	ssyncset.done $0x0  }
0x19: {  	s31 =	sadd.s32 $0x0, s8;
	[sflag:s11] =	ssyncadd.s32 $0xFFFFFF80  }
0x1a: {  	[tilespmem:s12], [sflag:$0x2] =	stream.linear.gather [hbm4b:s31+s3], $0x80, $0x38;
	[tilespmem:$0x17D00] =	vst v63  }
0x1b: {  	_ =	swait.ge [sflag:s11], $0x80  }
0x1c: {  	[sflag:s11] =	ssyncset.done $0x0  }
0x1d: {  	[sflag:s11] =	ssyncadd.s32 $0xFFFFFF80  }
0x1e: {  	[tilespmem:s13], [sflag:$0x1] =	stream.indirect.gather [hbm4b:s4+s12], $0x80, s3, s12, $0xb8;
	[tilespmem:$0x17D00] =	vst v63  }
0x1f: {  	_ =	swait.ge [sflag:s14], $0x4000  }
0x20: {  	[sflag:s14] =	ssyncset.done $0x0  }
0x21: {  	[sflag:s14] =	ssyncadd.s32 $0xFFFFC000  }
0x22: {  	[spmem:s2] =	stream.indirect.scatter.add.f32 [tilespmem:s13], [sflag:$0x2], $0x80, s12, s12, $0xb8;
	[tilespmem:$0x17D00] =	vst v63  }
0x23: {  	_ =	swait.ge [sflag:s11], $0x4000  }
0x24: {  	s18 =	simm.s32 $0x20;
	s17 =	simm.s32 $0x10;
	[sflag:s11] =	ssyncset.done $0x0  }
.LBB2_2:
0x25: {  	s19 =	sadd.s32 s17, s9  }
0x26: {  	[sflag:s11] =	ssyncadd.s32 $0xFFFFC000;
	s20 =	smov.u32 s18;
	s21 =	sadd.s32 $0x10, s18  }
0x27: {  	[tilespmem:s3], [sflag:$0x2] =	stream.linear.gather [hbm4b:s19+s3], $0x80, $0x38;
	[tilespmem:$0x17D00] =	vst v63  }
0x28: {  	p0 =	sne.s32 s18, $0x4F0;
	_ =	swait.ge [sflag:s11], $0x80  }
0x29: {  	[sflag:s11] =	ssyncset.done $0x0  }
0x2a: {  	s18 =	sadd.s32 s17, s8;
	s17 =	smov.u32 s20;
	[sflag:s11] =	ssyncadd.s32 $0xFFFFFF80  }
0x2b: {  	[tilespmem:s12], [sflag:$0x2] =	stream.linear.gather [hbm4b:s18+s3], $0x80, $0x38;
	[tilespmem:$0x17D00] =	vst v63  }
0x2c: {  	_ =	swait.ge [sflag:s11], $0x80  }
0x2d: {  	[sflag:s11] =	ssyncset.done $0x0  }
0x2e: {  	[sflag:s11] =	ssyncadd.s32 $0xFFFFFF80  }
0x2f: {  	[tilespmem:s13], [sflag:$0x1] =	stream.indirect.gather [hbm4b:s4+s12], $0x80, s3, s12, $0xb8;
	[tilespmem:$0x17D00] =	vst v63  }
0x30: {  	_ =	swait.ge [sflag:s14], $0x4000  }
.Ltmp0:
0x31: {  	[sflag:s14] =	ssyncset.done $0x0;
	(pc) =	sbr.rel @p0 .LBB2_2-.Ltmp0, $4  }
0x32: {  	[sflag:s14] =	ssyncadd.s32 $0xFFFFC000  }
0x33: {  	[spmem:s2] =	stream.indirect.scatter.add.f32 [tilespmem:s13], [sflag:$0x2], $0x80, s12, s12, $0xb8;
	[tilespmem:$0x17D00] =	vst v63  }
0x34: {  	_ =	swait.ge [sflag:s11], $0x4000  }
0x35: {  	s18 =	smov.u32 s21;
	[sflag:s11] =	ssyncset.done $0x0  }
0x36: {  	s18 =	sadd.s32 s17, s9;
	[sflag:s11] =	ssyncadd.s32 $0xFFFFC000  }
0x37: {  	[tilespmem:s3], [sflag:$0x2] =	stream.linear.gather [hbm4b:s18+s3], $0x80, $0x38;
	[tilespmem:$0x17D00] =	vst v63  }
0x38: {  	_ =	swait.ge [sflag:s11], $0x80  }
0x39: {  	[sflag:s11] =	ssyncset.done $0x0  }
0x3a: {  	s31 =	sadd.s32 s17, s8;
	[sflag:s11] =	ssyncadd.s32 $0xFFFFFF80  }
0x3b: {  	[tilespmem:s12], [sflag:$0x2] =	stream.linear.gather [hbm4b:s31+s3], $0x80, $0x38;
	[tilespmem:$0x17D00] =	vst v63  }
0x3c: {  	_ =	swait.ge [sflag:s11], $0x80  }
0x3d: {  	[sflag:s11] =	ssyncset.done $0x0  }
0x3e: {  	[sflag:s11] =	ssyncadd.s32 $0xFFFFFF80  }
0x3f: {  	[tilespmem:s13], [sflag:$0x1] =	stream.indirect.gather [hbm4b:s4+s12], $0x80, s3, s12, $0xb8;
	[tilespmem:$0x17D00] =	vst v63  }
0x40: {  	_ =	swait.ge [sflag:s14], $0x4000  }
0x41: {  	[sflag:s14] =	ssyncset.done $0x0  }
0x42: {  	[sflag:s14] =	ssyncadd.s32 $0xFFFFC000  }
0x43: {  	[spmem:s2] =	stream.indirect.scatter.add.f32 [tilespmem:s13], [sflag:$0x2], $0x80, s12, s12, $0xb8;
	[tilespmem:$0x17D00] =	vst v63  }
0x44: {  	_ =	swait.ge [sflag:s11], $0x4000  }
0x45: {  	s16 =	sadd.s32 $0x1, s16;
	[sflag:s11] =	ssyncset.done $0x0  }
0x46: {  	p0 =	sne.s32 s16, s7;
	[sflag:s11] =	ssyncadd.s32 $0xFFFFC000  }
.Ltmp1:
0x47: {  	[bflag:$0x0] =	sbarrier.arrive $0xFFFF;
	(pc) =	sbr.rel @p0 .LBB2_1-.Ltmp1, $4  }
0x48: {  	[hbm:s15], [sflag:s6] =	dma.local [spmem:s10], $0x2780  }
0x49: {  	_ =	swait.ge [sflag:s11], $0x2780  }
0x4a: {  	[sflag:s11] =	ssyncset.done $0x0  }
0x4b: {  	[sflag:s11] =	ssyncadd.s32 $0xFFFFD880  }
0x4c: {  	_ =	sfence.sel $0x180000  }
0x4d: {  	[bflag:$0x0] =	sbarrier.arrive $0xFFFF  }
0x4e: {  	p0 =	sne.s32 s1, $0x0;
	_ =	strace $0x9000004D  }
0x4f: {  	s0 =	sadd.s32 @!p0 $0x100000, s0;
	[bflag:$0x2] =	sbarrier.arrive $0xFFFF  }
0x50: {  	[sflag:s0] =	ssyncadd.tile.s32 @!p0 $0x1;
	_ =	shalt  }
.Lfunc_end2:
_tile_overlayer_lowered:
.L_overlay_start_2:
0x51: {  	(tag) =	ssettag $0x2  }
0x52: {  	s0 =	rddreg [dreg:$0x0];
	s2 =	stileid.u32  }
0x53: {  	s1 =	rddreg [dreg:$0x1];
	p0 =	sne.s32 s2, $0x0  }
0x54: {  	s3 =	rddreg [dreg:$0x2];
	[bflag:$0x3] =	sbarrier.arrive $0xFFFF;
	s2 =	simm.s32 @!p0 $0x1C02  }
0x55: {  	[timem:s3], [sflag:s2] =	dma.local @!p0 [hbm:s0], s1  }
0x56: {  	s0 =	simm.s32 @!p0 $0x2  }
0x57: {  	_ =	swait.ge @!p0 [sflag:s0], s1  }
0x58: {  	s1 =	ssub.s32 @!p0 $0x0, s1;
	[sflag:s0] =	ssyncset.done @!p0 $0x0  }
0x59: {  	[sflag:s0] =	ssyncadd.s32 @!p0 s1  }
0x5a: {  	[bflag:$0x3] =	sbarrier.arrive $0xFFFF  }
0x5b: {  	_ =	shalt  }

// kernel: kernel.19.cloned.1.call-start
scs
__scs_entry_jumppad:
0x0: {  	(pc) =	sbr.rel $0x88, $3  }
0x1: {  	(tag) =	ssettag $0x0;
	lr =	simm.s32 $0x1  }
0x2: {  	[smem:$0x3F8B] =	sst lr;
	_ =	strace $0xD0000000  }
0x3: {  	_ = 	snop  }
0x4: {  	_ = 	snop  }
0x5: {  	_ = 	snop  }
0x6: {  	_ = 	snop  }
0x7: {  	_ = 	snop  }
__scs_overlays_trampoline_lowered:
0x8: {  	[smem:$0x3F9A] =	sst s0  }
0x9: {  	[smem:$0x3F9B] =	sst s1  }
0xa: {  	[smem:$0x3F9C] =	sst s2  }
0xb: {  	[smem:$0x3F9D] =	sst s3  }
0xc: {  	[smem:$0x3F9E] =	sst s4  }
0xd: {  	[smem:$0x3F9F] =	sst s5  }
0xe: {  	[smem:$0x3FA0] =	sst s6  }
0xf: {  	[smem:$0x3FA1] =	sst s7  }
0x10: {  	[smem:$0x3FA2] =	sst s8  }
0x11: {  	[smem:$0x3FA3] =	sst s9;
	s0 =	simm.s32 @!p0 $0x0  }
0x12: {  	s1 =	sld [smem:$0x3F89];
	s0 =	simm.s32 @p0 $0x1  }
0x13: {  	[smem:$0x3FA4] =	sst s0;
	s0 =	simm.s32 @!p1 $0x0  }
0x14: {  	s2 =	sld [smem:$0x3F88];
	s0 =	simm.s32 @p1 $0x1  }
0x15: {  	[smem:$0x3FA5] =	sst s0;
	s0 =	simm.s32 @!p2 $0x0  }
0x16: {  	s3 =	sld [smem:$0x3FDB];
	s0 =	simm.s32 @p2 $0x1  }
0x17: {  	s4 =	simm.s32 $0x1BF5;
	[smem:$0x3FA7] =	sst s0  }
0x18: {  	s0 =	sld [smem:$0x3F8A];
	_ =	swait.ge [sflag:s4], $0x0  }
0x19: {  	s7 =	sld [smem:$0x3F8B]  }
0x1a: {  	s8 =	sadd.s32 $0xFFFFE003, lr  }
0x1b: {  	s9 =	sadd.s32 $0xFFFFFEF7, lr;
	s5 =	simm.s32 $0xFFFFFFFF;
	p2 =	slt.u32 s8, $0xFFFFF086  }
0x1c: {  	p1 =	slt.u32 s9, $0xF7A;
	s5 =	simm.s32 @!p2 $0x0  }
0x1d: {  	s5 =	simm.s32 @p1 $0x1;
	p0 =	seq.s32 s7, s2  }
0x1e: {  	s7 =	smul.u32 @!p0 $0xF7A, s2;
	p2 =	seq.s32 @!p0 s5, $0x0  }
0x1f: {  	s9 =	smul.u32 $0xF7A, s1;
	s8 =	simm.s32 @!p0 $0x1BF5;
	p2 =	por !p2, p0  }
0x20: {  	[sflag:s8] =	ssyncset.s32 @!p0 $0xFFFFF086;
	s6 =	sadd.s32 @!p0 s3, s7;
	s7 =	simm.s32 @!p0 $0x108  }
0x21: {  	s3 =	sadd.s32 s3, s9;
	s6 =	sadd.s32 @!p0 $0x88, s6;
	s7 =	simm.s32 @p2 $0x1082  }
0x22: {  	[simem:s7], [sflag:s8] =	dma.local @!p0 [hbm:s6], $0xF7A  }
0x23: {  	s9 =	sor.u32 $0xD0000000, s2;
	s6 =	simm.s32 $0x108;
	_ =	swait.ge @!p0 [sflag:s8], $0x0  }
0x24: {  	s3 =	sadd.s32 $0x88, s3;
	s6 =	simm.s32 @!p1 $0x1082;
	[sflag:s4] =	ssyncset.s32 $0xFFFFF086  }
0x25: {  	[simem:s6], [sflag:s4] =	dma.local [hbm:s3], $0xF7A  }
0x26: {  	[smem:$0x3F8B] =	sst s1;
	(tag) =	ssettag s2;
	_ =	strace s9  }
0x27: {  	s1 =	sld [smem:$0x3F9B]  }
0x28: {  	s2 =	sld [smem:$0x3F9C]  }
0x29: {  	s4 =	sld [smem:$0x3F9E]  }
0x2a: {  	p0 =	seq.s32 s5, $0x0;
	s5 =	sld [smem:$0x3F9F]  }
0x2b: {  	s6 =	sld [smem:$0x3FA0]  }
0x2c: {  	s7 =	sld [smem:$0x3FA1]  }
0x2d: {  	s3 =	simm.s32 $0x108;
	s8 =	sld [smem:$0x3FA2]  }
0x2e: {  	s3 =	simm.s32 @!p0 $0x1082;
	s9 =	sld [smem:$0x3FA3]  }
0x2f: {  	lr =	sadd.s32 s0, s3;
	s0 =	sld [smem:$0x3F9A]  }
0x30: {  	s3 =	sld [smem:$0x3F9D]  }
0x31: {  	[smem:$0x3FA6] =	sst s10  }
0x32: {  	s10 =	sld [smem:$0x3FA4];
	_ =	sdelay $0x3  }
0x33: {  	p0 =	seq.s32 s10, $0x1;
	s10 =	sld [smem:$0x3FA6];
	_ =	sdelay $0x3  }
0x34: {  	[smem:$0x3FA6] =	sst s10  }
0x35: {  	s10 =	sld [smem:$0x3FA5];
	_ =	sdelay $0x3  }
0x36: {  	p1 =	seq.s32 s10, $0x1;
	s10 =	sld [smem:$0x3FA6];
	_ =	sdelay $0x3  }
0x37: {  	[smem:$0x3FA6] =	sst s10  }
0x38: {  	s10 =	sld [smem:$0x3FA7]  }
0x39: {  	_ = 	snop;
	(pc) =	sbr.ind lr, $3  }
0x3a: {  	_ = 	snop  }
0x3b: {  	_ = 	snop  }
0x3c: {  	p2 =	seq.s32 s10, $0x1;
	s10 =	sld [smem:$0x3FA6]  }
0x3d: {  	_ =	shalt  }
0x3e: {  	_ =	shalt  }
0x3f: {  	_ =	shalt  }
0x40: {  	_ =	shalt  }
0x41: {  	_ =	shalt  }
0x42: {  	_ =	shalt  }
0x43: {  	_ =	shalt  }
0x44: {  	_ =	shalt  }
0x45: {  	_ =	shalt  }
0x46: {  	_ =	shalt  }
0x47: {  	_ =	shalt  }
0x48: {  	_ =	shalt  }
0x49: {  	_ =	shalt  }
0x4a: {  	_ =	shalt  }
0x4b: {  	_ =	shalt  }
0x4c: {  	_ =	shalt  }
0x4d: {  	_ =	shalt  }
0x4e: {  	_ =	shalt  }
0x4f: {  	_ =	shalt  }
0x50: {  	_ =	shalt  }
0x51: {  	_ =	shalt  }
0x52: {  	_ =	shalt  }
0x53: {  	_ =	shalt  }
0x54: {  	_ =	shalt  }
0x55: {  	_ =	shalt  }
0x56: {  	_ =	shalt  }
0x57: {  	_ =	shalt  }
0x58: {  	_ =	shalt  }
0x59: {  	_ =	shalt  }
0x5a: {  	_ =	shalt  }
0x5b: {  	_ =	shalt  }
0x5c: {  	_ =	shalt  }
0x5d: {  	_ =	shalt  }
0x5e: {  	_ =	shalt  }
0x5f: {  	_ =	shalt  }
0x60: {  	_ =	shalt  }
0x61: {  	_ =	shalt  }
0x62: {  	_ =	shalt  }
0x63: {  	_ =	shalt  }
0x64: {  	_ =	shalt  }
0x65: {  	_ =	shalt  }
0x66: {  	_ =	shalt  }
0x67: {  	_ =	shalt  }
0x68: {  	_ =	shalt  }
0x69: {  	_ =	shalt  }
0x6a: {  	_ =	shalt  }
0x6b: {  	_ =	shalt  }
0x6c: {  	_ =	shalt  }
0x6d: {  	_ =	shalt  }
0x6e: {  	_ =	shalt  }
0x6f: {  	_ =	shalt  }
0x70: {  	_ =	shalt  }
0x71: {  	_ =	shalt  }
0x72: {  	_ =	shalt  }
0x73: {  	_ =	shalt  }
0x74: {  	_ =	shalt  }
0x75: {  	_ =	shalt  }
0x76: {  	_ =	shalt  }
0x77: {  	_ =	shalt  }
0x78: {  	_ =	shalt  }
0x79: {  	_ =	shalt  }
0x7a: {  	_ =	shalt  }
0x7b: {  	_ =	shalt  }
0x7c: {  	_ =	shalt  }
0x7d: {  	_ =	shalt  }
0x7e: {  	_ =	shalt  }
0x7f: {  	_ =	shalt  }
0x80: {  	_ =	shalt  }
0x81: {  	_ =	shalt  }
0x82: {  	_ =	shalt  }
0x83: {  	_ =	shalt  }
0x84: {  	_ =	shalt  }
0x85: {  	_ =	shalt  }
0x86: {  	_ =	shalt  }
0x87: {  	_ =	shalt  }
.Lfunc_end0:
.L_simem_size_0:
called_computation.3_lowered:
.L_overlay_start_0:
0x88: {  	s2 =	sld [smem:$0x3FD9]  }
0x89: {  	s3 =	sld [smem:$0x3FFE];
	_ =	sdelay $0x1  }
0x8a: {  	s1 =	srdreg.scid  }
0x8b: {  	s0 =	sand.u32 $0x1, s1  }
0x8c: {  	s14 =	sshll.u32 s0, $0xA;
	s2 =	sadd.s32 s3, s2  }
0x8d: {  	s2 =	sadd.s32 s2, s14  }
0x8e: {  	[smem:$0x3FB2] =	sst s2  }
0x8f: {  	_ = 	snop  }
0x90: {  	s2 =	sld [smem:$0x3FD0];
	_ =	sdelay $0x2  }
0x91: {  	s15 =	simm.s32 $0xA;
	s4 =	simm.s32 $0x10  }
0x92: {  	[smem:s4], [sflag:s15] =	dma.local [hbm:s2], $0x1  }
0x93: {  	_ =	swait.eq [sflag:s15], $0x1  }
0x94: {  	[sflag:s15] =	ssyncset.done $0x0  }
0x95: {  	s16 =	sld [smem:$0x10];
	[sflag:s15] =	ssyncadd.s32 $0xFFFFFFFF  }
0x96: {  	s17 =	sld [smem:$0x11];
	(tm) =	ssettm $0x1  }
0x97: {  	s18 =	sld [smem:$0x3FFB];
	_ =	sdelay $0x3  }
0x98: {  	_ =	strace s18  }
0x99: {  	s4 =	sld [smem:$0x3FFC];
	_ =	sdelay $0x3  }
0x9a: {  	_ =	strace s4  }
0x9b: {  	s4 =	sld [smem:$0x3FFD];
	_ =	sdelay $0x3  }
0x9c: {  	_ =	strace s4  }
0x9d: {  	_ =	strace $0x8FFFFFFF  }
0x9e: {  	s19 =	sld [smem:$0x3FDB];
	_ =	sdelay $0x1  }
0x9f: {  	s5 =	simm.s32 $_scs_section_size  }
0xa0: {  	s6 =	simm.s32 $_size__tile_overlayer_lowered;
	s7 =	simm.s32 $_tile_overlayer_lowered  }
0xa1: {  	s22 =	simm.s32 $0x1BFF;
	s21 =	sshll.u32 s7, $0x1;
	s4 =	sadd.s32 s5, s19  }
0xa2: {  	s8 =	simm.s32 $0x0;
	s20 =	sshll.u32 s6, $0x1;
	s6 =	sadd.s32 s21, s4  }
0xa3: {  	[timem:s8], [sflag:s22] =	dma.local [hbm:s6], s20  }
0xa4: {  	_ =	swait.ge [sflag:s22], s20  }
0xa5: {  	s5 =	ssub.s32 $0x0, s20;
	[sflag:s22] =	ssyncset.done $0x0  }
0xa6: {  	[sflag:s22] =	ssyncadd.s32 s5;
	_ =	sdelay $0x1  }
0xa7: {  	s23 =	simm.s32 $0x1B8B  }
0xa8: {  	_ =	swait.ge [sflag:s23], $0x1  }
0xa9: {  	[sflag:s23] =	ssyncset.done $0x0  }
0xaa: {  	s25 =	simm.s32 $0x1B8E;
	s24 =	sld [smem:$0x3FFE];
	[sflag:s23] =	ssyncadd.s32 $0xFFFFFFFF  }
0xab: {  	s26 =	simm.s32 $execute0_lowered;
	[smem:$0x3FD2] =	sst s25  }
0xac: {  	s6 =	sshll.u32 s26, $0x1;
	_ =	strace $0x8000004F;
	[dreg:$0x1] =	wrdreg $0xFFFFFFFF  }
0xad: {  	s28 =	simm.s32 $_size_execute0_lowered;
	s4 =	sadd.s32 s4, s6;
	[dreg:$0x0] =	wrdreg $0x0  }
0xae: {  	s6 =	sshll.u32 s28, $0x1;
	[dreg:$0x2] =	wrdreg s4  }
0xaf: {  	[dreg:$0x3] =	wrdreg s6  }
0xb0: {  	[dreg:$0x4] =	wrdreg $0xC0  }
0xb1: {  	_ =	task [dreg:s8], $0x5FFFF  }
0xb2: {  	[dreg:$0x1] =	wrdreg $0xFFFFFFFF  }
0xb3: {  	[dreg:$0x0] =	wrdreg $0x60  }
0xb4: {  	[dreg:$0x2] =	wrdreg s24  }
0xb5: {  	[dreg:$0x3] =	wrdreg s17  }
0xb6: {  	[dreg:$0x4] =	wrdreg s16  }
0xb7: {  	[dreg:$0x5] =	wrdreg $0x41000  }
0xb8: {  	[dreg:$0x6] =	wrdreg $0x9  }
0xb9: {  	_ =	task.clear_ibuf [dreg:s8], $0x7FFFF;
	_ =	strace $0x9000004F  }
0xba: {  	s29 =	simm.s32 $0x9;
	_ =	strace $0x80000051  }
0xbb: {  	_ =	swait.ge [sflag:s29], $0x1  }
0xbc: {  	[sflag:s29] =	ssyncadd.s32 $0xFFFFFFFF  }
0xbd: {  	_ =	strace $0x90000051  }
0xbe: {  	_ =	sfence  }
0xbf: {  	s30 =	sld [smem:$0x0];
	_ =	sdelay $0x2  }
0xc0: {  	s31 =	sshll.u32 s1, $0xD;
	s1 =	sshrl.u32 s1, $0x2  }
0xc1: {  	s3 =	sand.u32 $0x4000, s31;
	s1 =	sadd.s32 s1, s30  }
0xc2: {  	s0 =	sor.u32 s3, s0;
	s1 =	sshll.u32 s1, $0x11  }
0xc3: {  	s0 =	sor.u32 s1, s0  }
0xc4: {  	s0 =	sadd.s32 $0x8F2B, s0  }
0xc5: {  	[sflag:s0] =	ssyncadd.remote.s32 $0x1  }
0xc6: {  	_ =	sfence.sel $0xFFFF  }
0xc7: {  	[dreg:$0x0] =	wrdreg $0xFFFFFFFF;
	(pc) =	sbr.abs _section_cstart, $3  }
0xc8: {  	[dreg:$0x1] =	wrdreg $0xFFFFFFFF  }
0xc9: {  	_ =	task.clear_ibuf [dreg:s8], $0x2FFFF;
	_ =	strace $0x9FFFFFFF  }
0xca: {  	(tm) =	ssettm $0x7FFFFFFF  }
0xcb: {  	_ =	shalt  }
tec
execute0_lowered:
.L_overlay_start_1:
0x0: {  	(tag) =	ssettag $0x1  }
0x1: {  	s5 =	rddreg [dreg:$0x0]  }
0x2: {  	s8 =	rddreg [dreg:$0x1]  }
0x3: {  	s9 =	rddreg [dreg:$0x2]  }
0x4: {  	s2 =	rddreg [dreg:$0x3]  }
0x5: {  	s0 =	rddreg [dreg:$0x4];
	s3 =	simm.s32 $0x0;
	s1 =	stileid.u32  }
0x6: {  	s4 =	srdreg.scid;
	s14 =	simm.s32 $0x1;
	s15 =	smul.u32 $0x2780, s1  }
0x7: {  	[smem:$0x7FF] =	sst s3;
	s6 =	sand.u32 $0x1, s4;
	s7 =	smul.u32 $0x4F000, s1  }
0x8: {  	s4 =	sadd.s32 $0x2D000, s5;
	s28 =	sshll.u32 s1, $0x6;
	s30 =	smul.u32 $0x500, s1  }
0x9: {  	_ =	strace $0x80000050;
	s10 =	smul.u32 $0x27800, s6;
	s11 =	ssub.s32 $0x2, s6  }
0xa: {  	s29 =	smul.u32 $0x5000, s6;
	s6 =	sor.u32 $0x1C02, s28;
	s12 =	sadd.s32 s15, s5  }
0xb: {  	s13 =	sshrl.u32 s11, $0x1;
	s7 =	sshrl.u32 s7, $0x2;
	s10 =	sadd.s32 s10, s5  }
0xc: {  	s11 =	ssub.s32 s11, s13;
	s26 =	sadd.s32 s7, s2;
	s5 =	sadd.s32 $0x5800, s12  }
0xd: {  	s9 =	sadd.s32 s29, s9;
	s31 =	sadd.s32 s29, s8;
	s12 =	simm.s32 $0x80  }
0xe: {  	s13 =	simm.s32 $0x100;
	s16 =	sadd.s32 $0x54800, s10;
	s7 =	smax.u32 s11, $0x1  }
0xf: {  	s8 =	sadd.s32 s30, s9;
	s9 =	sadd.s32 s30, s31;
	s10 =	sshrl.u32 s26, $0x3  }
0x10: {  	s11 =	simm.s32 $0x2;
	s15 =	sadd.s32 s15, s16;
	s16 =	simm.s32 $0x0  }
.LBB2_1:
0x11: {  	[spmem:s10], [sflag:s6] =	dma.local [hbm:s5], $0x2780  }
0x12: {  	_ =	swait.ge [sflag:s11], $0x2780  }
0x13: {  	[sflag:s11] =	ssyncset.done $0x0  }
0x14: {  	[sflag:s11] =	ssyncadd.s32 $0xFFFFD880  }
0x15: {  	s17 =	sadd.s32 $0x0, s9;
	[bflag:$0x0] =	sbarrier.arrive $0xFFFF  }
0x16: {  	[tilespmem:s3], [sflag:$0x2] =	stream.linear.gather [hbm4b:s17+s3], $0x80, $0x38;
	[tilespmem:$0x17D00] =	vst v63  }
0x17: {  	_ =	swait.ge [sflag:s11], $0x80  }
0x18: {  	[sflag:s11] =	ssyncset.done $0x0  }
0x19: {  	s31 =	sadd.s32 $0x0, s8;
	[sflag:s11] =	ssyncadd.s32 $0xFFFFFF80  }
0x1a: {  	[tilespmem:s12], [sflag:$0x2] =	stream.linear.gather [hbm4b:s31+s3], $0x80, $0x38;
	[tilespmem:$0x17D00] =	vst v63  }
0x1b: {  	_ =	swait.ge [sflag:s11], $0x80  }
0x1c: {  	[sflag:s11] =	ssyncset.done $0x0  }
0x1d: {  	[sflag:s11] =	ssyncadd.s32 $0xFFFFFF80  }
0x1e: {  	[tilespmem:s13], [sflag:$0x1] =	stream.indirect.gather [hbm4b:s4+s12], $0x80, s3, s12, $0xb8;
	[tilespmem:$0x17D00] =	vst v63  }
0x1f: {  	_ =	swait.ge [sflag:s14], $0x4000  }
0x20: {  	[sflag:s14] =	ssyncset.done $0x0  }
0x21: {  	[sflag:s14] =	ssyncadd.s32 $0xFFFFC000  }
0x22: {  	[spmem:s2] =	stream.indirect.scatter.add.f32 [tilespmem:s13], [sflag:$0x2], $0x80, s12, s12, $0xb8;
	[tilespmem:$0x17D00] =	vst v63  }
0x23: {  	_ =	swait.ge [sflag:s11], $0x4000  }
0x24: {  	s18 =	simm.s32 $0x20;
	s17 =	simm.s32 $0x10;
	[sflag:s11] =	ssyncset.done $0x0  }
.LBB2_2:
0x25: {  	s19 =	sadd.s32 s17, s9  }
0x26: {  	[sflag:s11] =	ssyncadd.s32 $0xFFFFC000;
	s20 =	smov.u32 s18;
	s21 =	sadd.s32 $0x10, s18  }
0x27: {  	[tilespmem:s3], [sflag:$0x2] =	stream.linear.gather [hbm4b:s19+s3], $0x80, $0x38;
	[tilespmem:$0x17D00] =	vst v63  }
0x28: {  	p0 =	sne.s32 s18, $0x4F0;
	_ =	swait.ge [sflag:s11], $0x80  }
0x29: {  	[sflag:s11] =	ssyncset.done $0x0  }
0x2a: {  	s18 =	sadd.s32 s17, s8;
	s17 =	smov.u32 s20;
	[sflag:s11] =	ssyncadd.s32 $0xFFFFFF80  }
0x2b: {  	[tilespmem:s12], [sflag:$0x2] =	stream.linear.gather [hbm4b:s18+s3], $0x80, $0x38;
	[tilespmem:$0x17D00] =	vst v63  }
0x2c: {  	_ =	swait.ge [sflag:s11], $0x80  }
0x2d: {  	[sflag:s11] =	ssyncset.done $0x0  }
0x2e: {  	[sflag:s11] =	ssyncadd.s32 $0xFFFFFF80  }
0x2f: {  	[tilespmem:s13], [sflag:$0x1] =	stream.indirect.gather [hbm4b:s4+s12], $0x80, s3, s12, $0xb8;
	[tilespmem:$0x17D00] =	vst v63  }
0x30: {  	_ =	swait.ge [sflag:s14], $0x4000  }
.Ltmp0:
0x31: {  	[sflag:s14] =	ssyncset.done $0x0;
	(pc) =	sbr.rel @p0 .LBB2_2-.Ltmp0, $4  }
0x32: {  	[sflag:s14] =	ssyncadd.s32 $0xFFFFC000  }
0x33: {  	[spmem:s2] =	stream.indirect.scatter.add.f32 [tilespmem:s13], [sflag:$0x2], $0x80, s12, s12, $0xb8;
	[tilespmem:$0x17D00] =	vst v63  }
0x34: {  	_ =	swait.ge [sflag:s11], $0x4000  }
0x35: {  	s18 =	smov.u32 s21;
	[sflag:s11] =	ssyncset.done $0x0  }
0x36: {  	s18 =	sadd.s32 s17, s9;
	[sflag:s11] =	ssyncadd.s32 $0xFFFFC000  }
0x37: {  	[tilespmem:s3], [sflag:$0x2] =	stream.linear.gather [hbm4b:s18+s3], $0x80, $0x38;
	[tilespmem:$0x17D00] =	vst v63  }
0x38: {  	_ =	swait.ge [sflag:s11], $0x80  }
0x39: {  	[sflag:s11] =	ssyncset.done $0x0  }
0x3a: {  	s31 =	sadd.s32 s17, s8;
	[sflag:s11] =	ssyncadd.s32 $0xFFFFFF80  }
0x3b: {  	[tilespmem:s12], [sflag:$0x2] =	stream.linear.gather [hbm4b:s31+s3], $0x80, $0x38;
	[tilespmem:$0x17D00] =	vst v63  }
0x3c: {  	_ =	swait.ge [sflag:s11], $0x80  }
0x3d: {  	[sflag:s11] =	ssyncset.done $0x0  }
0x3e: {  	[sflag:s11] =	ssyncadd.s32 $0xFFFFFF80  }
0x3f: {  	[tilespmem:s13], [sflag:$0x1] =	stream.indirect.gather [hbm4b:s4+s12], $0x80, s3, s12, $0xb8;
	[tilespmem:$0x17D00] =	vst v63  }
0x40: {  	_ =	swait.ge [sflag:s14], $0x4000  }
0x41: {  	[sflag:s14] =	ssyncset.done $0x0  }
0x42: {  	[sflag:s14] =	ssyncadd.s32 $0xFFFFC000  }
0x43: {  	[spmem:s2] =	stream.indirect.scatter.add.f32 [tilespmem:s13], [sflag:$0x2], $0x80, s12, s12, $0xb8;
	[tilespmem:$0x17D00] =	vst v63  }
0x44: {  	_ =	swait.ge [sflag:s11], $0x4000  }
0x45: {  	s16 =	sadd.s32 $0x1, s16;
	[sflag:s11] =	ssyncset.done $0x0  }
0x46: {  	p0 =	sne.s32 s16, s7;
	[sflag:s11] =	ssyncadd.s32 $0xFFFFC000  }
.Ltmp1:
0x47: {  	[bflag:$0x0] =	sbarrier.arrive $0xFFFF;
	(pc) =	sbr.rel @p0 .LBB2_1-.Ltmp1, $4  }
0x48: {  	[hbm:s15], [sflag:s6] =	dma.local [spmem:s10], $0x2780  }
0x49: {  	_ =	swait.ge [sflag:s11], $0x2780  }
0x4a: {  	[sflag:s11] =	ssyncset.done $0x0  }
0x4b: {  	[sflag:s11] =	ssyncadd.s32 $0xFFFFD880  }
0x4c: {  	_ =	sfence.sel $0x180000  }
0x4d: {  	[bflag:$0x0] =	sbarrier.arrive $0xFFFF  }
0x4e: {  	p0 =	sne.s32 s1, $0x0;
	_ =	strace $0x90000050  }
0x4f: {  	s0 =	sadd.s32 @!p0 $0x100000, s0;
	[bflag:$0x2] =	sbarrier.arrive $0xFFFF  }
0x50: {  	[sflag:s0] =	ssyncadd.tile.s32 @!p0 $0x1;
	_ =	shalt  }
.Lfunc_end2:
_tile_overlayer_lowered:
.L_overlay_start_2:
0x51: {  	(tag) =	ssettag $0x2  }
0x52: {  	s0 =	rddreg [dreg:$0x0];
	s2 =	stileid.u32  }
0x53: {  	s1 =	rddreg [dreg:$0x1];
	p0 =	sne.s32 s2, $0x0  }
0x54: {  	s3 =	rddreg [dreg:$0x2];
	[bflag:$0x3] =	sbarrier.arrive $0xFFFF;
	s2 =	simm.s32 @!p0 $0x1C02  }
0x55: {  	[timem:s3], [sflag:s2] =	dma.local @!p0 [hbm:s0], s1  }
0x56: {  	s0 =	simm.s32 @!p0 $0x2  }
0x57: {  	_ =	swait.ge @!p0 [sflag:s0], s1  }
0x58: {  	s1 =	ssub.s32 @!p0 $0x0, s1;
	[sflag:s0] =	ssyncset.done @!p0 $0x0  }
0x59: {  	[sflag:s0] =	ssyncadd.s32 @!p0 s1  }
0x5a: {  	[bflag:$0x3] =	sbarrier.arrive $0xFFFF  }
0x5b: {  	_ =	shalt  }

</sc_bundles>
